<compile_context>
chip_gen: v7x
topology: tpu7x:2x2x1
jax: 0.10.2.dev20260603
libtpu: 0.0.44.dev20260713+nightly
codegen_flags: <defaults>
</compile_context>

<pallas_src>
import jax
import jax.numpy as jnp
from jax import lax
from jax.experimental import pallas as pl
from jax.experimental.pallas import tpu as pltpu
from jax.experimental.pallas import tpu_sc as plsc

_N = 10000
_D = 128
_O = 2
_NC = 2
_NS = 16
_K = 128
_NPAD = 10240
_RPT = _NPAD // _NS


def _sc_mesh():
    return plsc.VectorSubcoreMesh(core_axis_name="c", subcore_axis_name="s",
                                  num_cores=_NC, num_subcores=_NS)


def _make_deg_kernel(e_pad):
    cpt = e_pad // (_NC * _NS * _KA)

    def body(dst_hbm, zeros_hbm, ones_hbm, deg_out, d_all, ones_v, deg_sh):
        c = lax.axis_index("c")
        s = lax.axis_index("s")
        r0 = s * _RPT
        base = (c * _NS + s) * cpt * _KA
        pltpu.sync_copy(zeros_hbm.at[pl.ds(r0, _RPT)], deg_sh.at[pl.ds(r0, _RPT)])
        pltpu.sync_copy(ones_hbm, ones_v)
        pltpu.sync_copy(dst_hbm.at[pl.ds(base, cpt * _KA)], d_all)
        plsc.subcore_barrier()

        def chunk(i, carry):
            pltpu.sync_copy(ones_v, deg_sh.at[d_all.at[pl.ds(i * _KA, _KA)]],
                            add=True)
            return carry

        lax.fori_loop(0, cpt, chunk, 0)
        plsc.subcore_barrier()
        pltpu.sync_copy(deg_sh.at[pl.ds(r0, _RPT)],
                        deg_out.at[c, pl.ds(r0, _RPT)])

    return pl.kernel(
        body,
        out_type=jax.ShapeDtypeStruct((_NC, _NPAD), jnp.float32),
        mesh=_sc_mesh(),
        scratch_types=[
            pltpu.VMEM((cpt * _KA,), jnp.int32),
            pltpu.VMEM((_KA,), jnp.float32),
            pltpu.VMEM_SHARED((_NPAD,), jnp.float32),
        ],
    )


def _dense1_body(x_ref, w1_ref, degt_ref, dinv_ref, hs_ref):
    deg = degt_ref[:, 0:1] + degt_ref[:, 1:2] + 1.0
    dinv = lax.rsqrt(deg)
    dinv_ref[...] = dinv
    h = jnp.dot(x_ref[...], w1_ref[...], preferred_element_type=jnp.float32)
    hs_ref[0:_N, :] = h * dinv[0:_N, :]
    hs_ref[_N:_NPAD, :] = jnp.zeros((_NPAD - _N, _D), jnp.float32)


def _dense1_call(x, w1, degt):
    return pl.pallas_call(
        _dense1_body,
        out_shape=(
            jax.ShapeDtypeStruct((_NPAD, 1), jnp.float32),
            jax.ShapeDtypeStruct((_NPAD, _D), jnp.float32),
        ),
    )(x, w1, degt)


_KA = 64


def _make_agg_kernel(e_pad):
    cpt = e_pad // (_NC * _NS * _KA)

    def body(hs_hbm, src_hbm, dst_hbm, zeros2_hbm, agg_out,
             s_all, d_all, rows0, rows1, agg_sh, g0, g1):
        c = lax.axis_index("c")
        s = lax.axis_index("s")
        base = (c * _NS + s) * cpt * _KA
        pltpu.sync_copy(zeros2_hbm, rows0)
        for j in range(_RPT // _KA):
            pltpu.sync_copy(rows0, agg_sh.at[pl.ds(s * _RPT + j * _KA, _KA)])
        plsc.subcore_barrier()

        pltpu.sync_copy(src_hbm.at[pl.ds(base, cpt * _KA)], s_all)
        pltpu.sync_copy(dst_hbm.at[pl.ds(base, cpt * _KA)], d_all)

        pltpu.async_copy(hs_hbm.at[s_all.at[pl.ds(0, _KA)]], rows0, g0)

        def pair(j, carry):
            o0 = 2 * j * _KA
            o1 = o0 + _KA
            o2 = jnp.minimum(o1 + _KA, (cpt - 1) * _KA)
            pltpu.make_async_copy(
                hs_hbm.at[s_all.at[pl.ds(o0, _KA)]], rows0, g0).wait()
            pltpu.async_copy(hs_hbm.at[s_all.at[pl.ds(o1, _KA)]], rows1, g1)
            pltpu.sync_copy(rows0, agg_sh.at[d_all.at[pl.ds(o0, _KA)]],
                            add=True)
            pltpu.make_async_copy(
                hs_hbm.at[s_all.at[pl.ds(o1, _KA)]], rows1, g1).wait()
            pltpu.async_copy(hs_hbm.at[s_all.at[pl.ds(o2, _KA)]], rows0, g0)
            pltpu.sync_copy(rows1, agg_sh.at[d_all.at[pl.ds(o1, _KA)]],
                            add=True)
            return carry

        lax.fori_loop(0, cpt // 2, pair, 0)
        pltpu.make_async_copy(
            hs_hbm.at[s_all.at[pl.ds(0, _KA)]], rows0, g0).wait()
        plsc.subcore_barrier()
        r0 = s * _RPT
        pltpu.sync_copy(agg_sh.at[pl.ds(r0, _RPT)],
                        agg_out.at[c, pl.ds(r0, _RPT)])

    return pl.kernel(
        body,
        out_type=jax.ShapeDtypeStruct((_NC, _NPAD, _D), jnp.float32),
        mesh=_sc_mesh(),
        scratch_types=[
            pltpu.VMEM((cpt * _KA,), jnp.int32),
            pltpu.VMEM((cpt * _KA,), jnp.int32),
            pltpu.VMEM((_KA, _D), jnp.float32),
            pltpu.VMEM((_KA, _D), jnp.float32),
            pltpu.VMEM_SHARED((_NPAD, _D), jnp.float32),
            pltpu.SemaphoreType.DMA,
            pltpu.SemaphoreType.DMA,
        ],
    )


def _dense2_body(aggp_ref, hs_ref, dinv_ref, b1_ref, gamma_ref, beta_ref,
                 w2_ref, b2_ref, prob_ref, rsu_ref):
    a = aggp_ref[0, 0:_N, :] + aggp_ref[1, 0:_N, :] + hs_ref[0:_N, :]
    y = a * dinv_ref[0:_N, :] + b1_ref[...]
    mean = jnp.mean(y, axis=0, keepdims=True)
    d = y - mean
    var = jnp.mean(d * d, axis=0, keepdims=True)
    bn = d * lax.rsqrt(var + 1e-5) * gamma_ref[...] + beta_ref[...]
    rsu_ref[...] = bn[0:1, :]
    z = jnp.dot(bn, w2_ref[...], preferred_element_type=jnp.float32)
    z = jnp.maximum(z + b2_ref[...], 0.0)
    m = jnp.max(z, axis=1, keepdims=True)
    e = jnp.exp(z - m)
    prob_ref[...] = e / jnp.sum(e, axis=1, keepdims=True)


def _dense2_call(aggp, hs, dinv, b1, gamma, beta, w2, b2):
    return pl.pallas_call(
        _dense2_body,
        out_shape=(
            jax.ShapeDtypeStruct((_N, _O), jnp.float32),
            jax.ShapeDtypeStruct((1, _D), jnp.float32),
        ),
    )(aggp, hs, dinv, b1, gamma, beta, w2, b2)


def kernel(node_feature, edge_index, W1, b1, gamma, beta, W2, b2):
    e = edge_index.shape[1]
    chunk = _NC * _NS * _KA * 2
    e_pad = ((e + chunk - 1) // chunk) * chunk
    pad_dst = _N + (jnp.arange(e_pad - e, dtype=jnp.int32) % (_NPAD - _N))
    pad_src = jnp.full((e_pad - e,), _N, jnp.int32)
    src = jnp.concatenate([edge_index[0], pad_src])
    dst = jnp.concatenate([edge_index[1], pad_dst])

    zeros1 = jnp.zeros((_NPAD,), jnp.float32)
    ones_k = jnp.ones((_KA,), jnp.float32)
    zeros2 = jnp.zeros((_KA, _D), jnp.float32)

    degp = _make_deg_kernel(e_pad)(dst, zeros1, ones_k)
    degt = degp.T
    dinv, hs = _dense1_call(node_feature, W1, degt)
    aggp = _make_agg_kernel(e_pad)(hs, src, dst, zeros2)
    prob, rsu = _dense2_call(aggp, hs, dinv, b1, gamma, beta, W2, b2)
    return (prob, rsu)

# --- scband reference (transcript-rebuilt; emitter-appended) ---
"""Pipeline reference for scband-actor-gcn-89928025244585 (READ-ONLY COPY).

The authoritative reference and input builder live on the scoring server;
editing this copy changes nothing except your own understanding.
"""

import jax, jax.numpy as jnp
import numpy as np

N = 10000
E = 320000
D = 128
H = 128
O = 2


def setup_inputs(seed: int = 0) -> dict:
    key = jax.random.key(seed)
    ks = jax.random.split(key, 8)
    node_feature = jax.random.normal(ks[0], (N, D), dtype=jnp.float32)
    edge_index = jax.random.randint(ks[1], (2, E), 0, N, dtype=jnp.int32)
    W1 = jax.random.normal(ks[2], (D, H), dtype=jnp.float32) * (1.0 / np.sqrt(D))
    b1 = jnp.zeros((H,), dtype=jnp.float32)
    gamma = jnp.ones((H,), dtype=jnp.float32)
    beta = jnp.zeros((H,), dtype=jnp.float32)
    W2 = jax.random.normal(ks[3], (H, O), dtype=jnp.float32) * (1.0 / np.sqrt(H))
    b2 = jnp.zeros((O,), dtype=jnp.float32)
    return {
        "node_feature": node_feature,
        "edge_index": edge_index,
        "W1": W1,
        "b1": b1,
        "gamma": gamma,
        "beta": beta,
        "W2": W2,
        "b2": b2,
    }


def gcn_conv(x, edge_index, W, b, num_nodes):
    # PyG GCNConv: add self-loops, symmetric degree normalization
    h = x @ W
    loop = jnp.arange(num_nodes, dtype=edge_index.dtype)
    src = jnp.concatenate([edge_index[0], loop])
    dst = jnp.concatenate([edge_index[1], loop])
    deg = jax.ops.segment_sum(jnp.ones_like(dst, dtype=h.dtype), dst, num_segments=num_nodes)
    dinv = jnp.where(deg > 0, 1.0 / jnp.sqrt(deg), 0.0)
    norm = dinv[src] * dinv[dst]
    msgs = h[src] * norm[:, None]
    out = jax.ops.segment_sum(msgs, dst, num_segments=num_nodes)
    return out + b


def reference(node_feature, edge_index, W1, b1, gamma, beta, W2, b2):
    x = gcn_conv(node_feature, edge_index, W1, b1, N)
    # BatchNorm1d (training-mode batch statistics, biased variance)
    mean = jnp.mean(x, axis=0)
    var = jnp.var(x, axis=0)
    x = (x - mean) / jnp.sqrt(var + 1e-5)
    x = x * gamma + beta
    rsu_embedding = x[0:1]
    x = x @ W2 + b2
    x = jax.nn.relu(x)
    action_prob = jax.nn.softmax(x, axis=1)
    return (action_prob, rsu_embedding)

if __name__ == "__main__":
    import jax
    _d = setup_inputs()
    print(jax.jit(kernel)(*tuple(_d.values())))

</pallas_src>

<mosaic_0001>
#map = affine_map<(d0, d1) -> (0)>
#map1 = affine_map<(d0, d1) -> (0, 0)>
module attributes {stable_mosaic.version = 14 : i64} {
  func.func @body(%arg0: i32, %arg1: i32, %arg2: memref<323584xi32, #tpu.memory_space<hbm>>, %arg3: memref<10240xf32, #tpu.memory_space<hbm>>, %arg4: memref<64xf32, #tpu.memory_space<hbm>>, %arg5: memref<2x10240xf32, #tpu.memory_space<hbm>>, %arg6: memref<10112xi32, #tpu.memory_space<vmem>>, %arg7: memref<64xf32, #tpu.memory_space<vmem>>, %arg8: memref<10240xf32, #tpu.memory_space<vmem_shared>>) attributes {dimension_semantics = [#tpu.dimension_semantics<core_parallel>, #tpu.dimension_semantics<subcore_parallel>], iteration_bounds = array<i64: 2, 16>, scalar_prefetch = 0 : i64, scratch_operands = 3 : i64, tpu.core_type = #tpu.core_type<sc_vector_subcore>, window_params = [{transform_indices = #map}, {transform_indices = #map}, {transform_indices = #map}, {transform_indices = #map1}]} {
    %mul3A = arith.constant 640 : i32
    %mul3A_0 = arith.muli %arg1, %mul3A : i32
    %mul3A_1 = arith.constant 16 : i32
    %mul3A_2 = arith.muli %arg0, %mul3A_1 : i32
    %add3A = arith.addi %mul3A_2, %arg1 : i32
    %mul3A_3 = arith.constant 158 : i32
    %mul3A_4 = arith.muli %add3A, %mul3A_3 : i32
    %mul3A_5 = arith.constant 64 : i32
    %mul3A_6 = arith.muli %mul3A_4, %mul3A_5 : i32
    "tpu.region"() ({
      %run_scoped3A = tpu.sem_alloc : memref<!tpu.dma_semaphore, #tpu.memory_space<semaphore_mem>>
      %dma_start3A = tpu.memref_slice %arg8[%mul3A_0] : memref<10240xf32, #tpu.memory_space<vmem_shared>> -> memref<640xf32, #tpu.memory_space<vmem_shared>>
      %dma_start3A_13 = tpu.memref_slice %arg3[%mul3A_0] : memref<10240xf32, #tpu.memory_space<hbm>> -> memref<640xf32, #tpu.memory_space<hbm>>
      tpu.enqueue_dma source(%dma_start3A_13 : memref<640xf32, #tpu.memory_space<hbm>>) target(%dma_start3A : memref<640xf32, #tpu.memory_space<vmem_shared>>) target_semaphore(%run_scoped3A : memref<!tpu.dma_semaphore, #tpu.memory_space<semaphore_mem>>)
      %dma_wait3A = tpu.memref_slice %arg8[%mul3A_0] : memref<10240xf32, #tpu.memory_space<vmem_shared>> -> memref<640xf32, #tpu.memory_space<vmem_shared>>
      %dma_wait3A_14 = tpu.memref_slice %arg3[%mul3A_0] : memref<10240xf32, #tpu.memory_space<hbm>> -> memref<640xf32, #tpu.memory_space<hbm>>
      tpu.wait_dma2 semaphore(%run_scoped3A : memref<!tpu.dma_semaphore, #tpu.memory_space<semaphore_mem>>) src(%dma_wait3A_14 : memref<640xf32, #tpu.memory_space<hbm>>) dst(%dma_wait3A : memref<640xf32, #tpu.memory_space<vmem_shared>>)
      tpu.yield
    }) : () -> ()
    "tpu.region"() ({
      %run_scoped3A = tpu.sem_alloc : memref<!tpu.dma_semaphore, #tpu.memory_space<semaphore_mem>>
      tpu.enqueue_dma source(%arg4 : memref<64xf32, #tpu.memory_space<hbm>>) target(%arg7 : memref<64xf32, #tpu.memory_space<vmem>>) target_semaphore(%run_scoped3A : memref<!tpu.dma_semaphore, #tpu.memory_space<semaphore_mem>>)
      tpu.wait_dma2 semaphore(%run_scoped3A : memref<!tpu.dma_semaphore, #tpu.memory_space<semaphore_mem>>) src(%arg4 : memref<64xf32, #tpu.memory_space<hbm>>) dst(%arg7 : memref<64xf32, #tpu.memory_space<vmem>>)
      tpu.yield
    }) : () -> ()
    "tpu.region"() ({
      %run_scoped3A = tpu.sem_alloc : memref<!tpu.dma_semaphore, #tpu.memory_space<semaphore_mem>>
      %dma_start3A = tpu.memref_slice %arg2[%mul3A_6] : memref<323584xi32, #tpu.memory_space<hbm>> -> memref<10112xi32, #tpu.memory_space<hbm>>
      %dma_start3A_13 = tpu.memref_slice %arg2[%mul3A_6] : memref<323584xi32, #tpu.memory_space<hbm>> -> memref<10112xi32, #tpu.memory_space<hbm>>
      tpu.enqueue_dma source(%dma_start3A_13 : memref<10112xi32, #tpu.memory_space<hbm>>) target(%arg6 : memref<10112xi32, #tpu.memory_space<vmem>>) target_semaphore(%run_scoped3A : memref<!tpu.dma_semaphore, #tpu.memory_space<semaphore_mem>>)
      %dma_wait3A = tpu.memref_slice %arg2[%mul3A_6] : memref<323584xi32, #tpu.memory_space<hbm>> -> memref<10112xi32, #tpu.memory_space<hbm>>
      %dma_wait3A_14 = tpu.memref_slice %arg2[%mul3A_6] : memref<323584xi32, #tpu.memory_space<hbm>> -> memref<10112xi32, #tpu.memory_space<hbm>>
      tpu.wait_dma2 semaphore(%run_scoped3A : memref<!tpu.dma_semaphore, #tpu.memory_space<semaphore_mem>>) src(%dma_wait3A_14 : memref<10112xi32, #tpu.memory_space<hbm>>) dst(%arg6 : memref<10112xi32, #tpu.memory_space<vmem>>)
      tpu.yield
    }) : () -> ()
    %barrier3A = arith.constant 0 : index
    tpu.barrier barrier_id(%barrier3A)
    %scan3A = arith.constant 0 : i32
    %scan3A_7 = arith.constant 0 : i32
    %scan3A_8 = arith.constant 158 : i32
    %scan3A_9 = arith.addi %scan3A_7, %scan3A_8 : i32
    %scan3A_10 = arith.constant 1 : i32
    scf.for %scan3A_13 = %scan3A_7 to %scan3A_9 step %scan3A_10  : i32 {
      %mul3A_14 = arith.constant 64 : i32
      %mul3A_15 = arith.muli %scan3A_13, %mul3A_14 : i32
      "tpu.region"() ({
        %run_scoped3A = tpu.sem_alloc : memref<!tpu.dma_semaphore, #tpu.memory_space<semaphore_mem>>
        %dma_start3A = tpu.memref_slice %arg6[%mul3A_15] : memref<10112xi32, #tpu.memory_space<vmem>> -> memref<64xi32, #tpu.memory_space<vmem>>
        %dma_start3A_16 = arith.constant 0 : i32
        %dma_start3A_17 = tpu.memref_slice %arg8[%dma_start3A_16] : memref<10240xf32, #tpu.memory_space<vmem_shared>> -> memref<10240xf32, #tpu.memory_space<vmem_shared>>
        tpu.enqueue_indirect_dma source(%arg7 : memref<64xf32, #tpu.memory_space<vmem>>) target(%dma_start3A_17 : memref<10240xf32, #tpu.memory_space<vmem_shared>>) offsets(%dma_start3A : memref<64xi32, #tpu.memory_space<vmem>>) semaphore(%run_scoped3A : memref<!tpu.dma_semaphore, #tpu.memory_space<semaphore_mem>>) {add = true}
        %dma_wait3A = tpu.memref_slice %arg6[%mul3A_15] : memref<10112xi32, #tpu.memory_space<vmem>> -> memref<64xi32, #tpu.memory_space<vmem>>
        %dma_wait3A_18 = arith.constant 0 : i32
        %dma_wait3A_19 = tpu.memref_slice %arg8[%dma_wait3A_18] : memref<10240xf32, #tpu.memory_space<vmem_shared>> -> memref<10240xf32, #tpu.memory_space<vmem_shared>>
        tpu.wait_indirect_dma semaphore(%run_scoped3A : memref<!tpu.dma_semaphore, #tpu.memory_space<semaphore_mem>>) src(%arg7 : memref<64xf32, #tpu.memory_space<vmem>>) dst(%dma_wait3A_19 : memref<10240xf32, #tpu.memory_space<vmem_shared>>)
        tpu.yield
      }) : () -> ()
    }
    %scan3A_11 = arith.constant 158 : i32
    %barrier3A_12 = arith.constant 0 : index
    tpu.barrier barrier_id(%barrier3A_12)
    "tpu.region"() ({
      %run_scoped3A = tpu.sem_alloc : memref<!tpu.dma_semaphore, #tpu.memory_space<semaphore_mem>>
      %dma_start3A = tpu.memref_slice %arg5[%arg0, %mul3A_0] : memref<2x10240xf32, #tpu.memory_space<hbm>> -> memref<1x640xf32, #tpu.memory_space<hbm>>
      %dma_start3A_13 = tpu.memref_squeeze %dma_start3A : memref<1x640xf32, #tpu.memory_space<hbm>> -> memref<640xf32, #tpu.memory_space<hbm>>
      %dma_start3A_14 = tpu.memref_slice %arg8[%mul3A_0] : memref<10240xf32, #tpu.memory_space<vmem_shared>> -> memref<640xf32, #tpu.memory_space<vmem_shared>>
      tpu.enqueue_dma source(%dma_start3A_14 : memref<640xf32, #tpu.memory_space<vmem_shared>>) target(%dma_start3A_13 : memref<640xf32, #tpu.memory_space<hbm>>) target_semaphore(%run_scoped3A : memref<!tpu.dma_semaphore, #tpu.memory_space<semaphore_mem>>)
      %dma_wait3A = tpu.memref_slice %arg5[%arg0, %mul3A_0] : memref<2x10240xf32, #tpu.memory_space<hbm>> -> memref<1x640xf32, #tpu.memory_space<hbm>>
      %dma_wait3A_15 = tpu.memref_squeeze %dma_wait3A : memref<1x640xf32, #tpu.memory_space<hbm>> -> memref<640xf32, #tpu.memory_space<hbm>>
      %dma_wait3A_16 = tpu.memref_slice %arg8[%mul3A_0] : memref<10240xf32, #tpu.memory_space<vmem_shared>> -> memref<640xf32, #tpu.memory_space<vmem_shared>>
      tpu.wait_dma2 semaphore(%run_scoped3A : memref<!tpu.dma_semaphore, #tpu.memory_space<semaphore_mem>>) src(%dma_wait3A_16 : memref<640xf32, #tpu.memory_space<vmem_shared>>) dst(%dma_wait3A_15 : memref<640xf32, #tpu.memory_space<hbm>>)
      tpu.yield
    }) : () -> ()
    return
  }
}

#map = affine_map<(d0, d1) -> (0, 0)>
#map1 = affine_map<(d0, d1) -> (0)>
#map2 = affine_map<(d0, d1) -> (0, 0, 0)>
module attributes {stable_mosaic.version = 14 : i64} {
  func.func @body(%arg0: i32, %arg1: i32, %arg2: memref<10240x128xf32, #tpu.memory_space<hbm>>, %arg3: memref<323584xi32, #tpu.memory_space<hbm>>, %arg4: memref<323584xi32, #tpu.memory_space<hbm>>, %arg5: memref<64x128xf32, #tpu.memory_space<hbm>>, %arg6: memref<2x10240x128xf32, #tpu.memory_space<hbm>>, %arg7: memref<10112xi32, #tpu.memory_space<vmem>>, %arg8: memref<10112xi32, #tpu.memory_space<vmem>>, %arg9: memref<64x128xf32, #tpu.memory_space<vmem>>, %arg10: memref<64x128xf32, #tpu.memory_space<vmem>>, %arg11: memref<10240x128xf32, #tpu.memory_space<vmem_shared>>, %arg12: memref<!tpu.dma_semaphore, #tpu.memory_space<semaphore_mem>>, %arg13: memref<!tpu.dma_semaphore, #tpu.memory_space<semaphore_mem>>) attributes {dimension_semantics = [#tpu.dimension_semantics<core_parallel>, #tpu.dimension_semantics<subcore_parallel>], iteration_bounds = array<i64: 2, 16>, scalar_prefetch = 0 : i64, scratch_operands = 7 : i64, tpu.core_type = #tpu.core_type<sc_vector_subcore>, window_params = [{transform_indices = #map}, {transform_indices = #map1}, {transform_indices = #map1}, {transform_indices = #map}, {transform_indices = #map2}]} {
    %mul3A = arith.constant 16 : i32
    %mul3A_0 = arith.muli %arg0, %mul3A : i32
    %add3A = arith.addi %mul3A_0, %arg1 : i32
    %mul3A_1 = arith.constant 158 : i32
    %mul3A_2 = arith.muli %add3A, %mul3A_1 : i32
    %mul3A_3 = arith.constant 64 : i32
    %mul3A_4 = arith.muli %mul3A_2, %mul3A_3 : i32
    "tpu.region"() ({
      %run_scoped3A = tpu.sem_alloc : memref<!tpu.dma_semaphore, #tpu.memory_space<semaphore_mem>>
      tpu.enqueue_dma source(%arg5 : memref<64x128xf32, #tpu.memory_space<hbm>>) target(%arg9 : memref<64x128xf32, #tpu.memory_space<vmem>>) target_semaphore(%run_scoped3A : memref<!tpu.dma_semaphore, #tpu.memory_space<semaphore_mem>>)
      tpu.wait_dma2 semaphore(%run_scoped3A : memref<!tpu.dma_semaphore, #tpu.memory_space<semaphore_mem>>) src(%arg5 : memref<64x128xf32, #tpu.memory_space<hbm>>) dst(%arg9 : memref<64x128xf32, #tpu.memory_space<vmem>>)
      tpu.yield
    }) : () -> ()
    %mul3A_5 = arith.constant 640 : i32
    %mul3A_6 = arith.muli %arg1, %mul3A_5 : i32
    %add3A_7 = arith.constant 0 : i32
    %add3A_8 = arith.addi %mul3A_6, %add3A_7 : i32
    "tpu.region"() ({
      %run_scoped3A = tpu.sem_alloc : memref<!tpu.dma_semaphore, #tpu.memory_space<semaphore_mem>>
      %dma_start3A_61 = arith.constant 0 : i32
      %dma_start3A_62 = tpu.memref_slice %arg11[%add3A_8, %dma_start3A_61] : memref<10240x128xf32, #tpu.memory_space<vmem_shared>> -> memref<64x128xf32, #tpu.memory_space<vmem_shared>>
      %dma_start3A_63 = arith.constant 0 : i32
      %dma_start3A_64 = tpu.memref_slice %arg11[%add3A_8, %dma_start3A_63] : memref<10240x128xf32, #tpu.memory_space<vmem_shared>> -> memref<64x128xf32, #tpu.memory_space<vmem_shared>>
      tpu.enqueue_dma source(%arg9 : memref<64x128xf32, #tpu.memory_space<vmem>>) target(%dma_start3A_64 : memref<64x128xf32, #tpu.memory_space<vmem_shared>>) target_semaphore(%run_scoped3A : memref<!tpu.dma_semaphore, #tpu.memory_space<semaphore_mem>>)
      %dma_wait3A_65 = arith.constant 0 : i32
      %dma_wait3A_66 = tpu.memref_slice %arg11[%add3A_8, %dma_wait3A_65] : memref<10240x128xf32, #tpu.memory_space<vmem_shared>> -> memref<64x128xf32, #tpu.memory_space<vmem_shared>>
      %dma_wait3A_67 = arith.constant 0 : i32
      %dma_wait3A_68 = tpu.memref_slice %arg11[%add3A_8, %dma_wait3A_67] : memref<10240x128xf32, #tpu.memory_space<vmem_shared>> -> memref<64x128xf32, #tpu.memory_space<vmem_shared>>
      tpu.wait_dma2 semaphore(%run_scoped3A : memref<!tpu.dma_semaphore, #tpu.memory_space<semaphore_mem>>) src(%arg9 : memref<64x128xf32, #tpu.memory_space<vmem>>) dst(%dma_wait3A_68 : memref<64x128xf32, #tpu.memory_space<vmem_shared>>)
      tpu.yield
    }) : () -> ()
    %mul3A_9 = arith.constant 640 : i32
    %mul3A_10 = arith.muli %arg1, %mul3A_9 : i32
    %add3A_11 = arith.constant 64 : i32
    %add3A_12 = arith.addi %mul3A_10, %add3A_11 : i32
    "tpu.region"() ({
      %run_scoped3A = tpu.sem_alloc : memref<!tpu.dma_semaphore, #tpu.memory_space<semaphore_mem>>
      %dma_start3A_61 = arith.constant 0 : i32
      %dma_start3A_62 = tpu.memref_slice %arg11[%add3A_12, %dma_start3A_61] : memref<10240x128xf32, #tpu.memory_space<vmem_shared>> -> memref<64x128xf32, #tpu.memory_space<vmem_shared>>
      %dma_start3A_63 = arith.constant 0 : i32
      %dma_start3A_64 = tpu.memref_slice %arg11[%add3A_12, %dma_start3A_63] : memref<10240x128xf32, #tpu.memory_space<vmem_shared>> -> memref<64x128xf32, #tpu.memory_space<vmem_shared>>
      tpu.enqueue_dma source(%arg9 : memref<64x128xf32, #tpu.memory_space<vmem>>) target(%dma_start3A_64 : memref<64x128xf32, #tpu.memory_space<vmem_shared>>) target_semaphore(%run_scoped3A : memref<!tpu.dma_semaphore, #tpu.memory_space<semaphore_mem>>)
      %dma_wait3A_65 = arith.constant 0 : i32
      %dma_wait3A_66 = tpu.memref_slice %arg11[%add3A_12, %dma_wait3A_65] : memref<10240x128xf32, #tpu.memory_space<vmem_shared>> -> memref<64x128xf32, #tpu.memory_space<vmem_shared>>
      %dma_wait3A_67 = arith.constant 0 : i32
      %dma_wait3A_68 = tpu.memref_slice %arg11[%add3A_12, %dma_wait3A_67] : memref<10240x128xf32, #tpu.memory_space<vmem_shared>> -> memref<64x128xf32, #tpu.memory_space<vmem_shared>>
      tpu.wait_dma2 semaphore(%run_scoped3A : memref<!tpu.dma_semaphore, #tpu.memory_space<semaphore_mem>>) src(%arg9 : memref<64x128xf32, #tpu.memory_space<vmem>>) dst(%dma_wait3A_68 : memref<64x128xf32, #tpu.memory_space<vmem_shared>>)
      tpu.yield
    }) : () -> ()
    %mul3A_13 = arith.constant 640 : i32
    %mul3A_14 = arith.muli %arg1, %mul3A_13 : i32
    %add3A_15 = arith.constant 128 : i32
    %add3A_16 = arith.addi %mul3A_14, %add3A_15 : i32
    "tpu.region"() ({
      %run_scoped3A = tpu.sem_alloc : memref<!tpu.dma_semaphore, #tpu.memory_space<semaphore_mem>>
      %dma_start3A_61 = arith.constant 0 : i32
      %dma_start3A_62 = tpu.memref_slice %arg11[%add3A_16, %dma_start3A_61] : memref<10240x128xf32, #tpu.memory_space<vmem_shared>> -> memref<64x128xf32, #tpu.memory_space<vmem_shared>>
      %dma_start3A_63 = arith.constant 0 : i32
      %dma_start3A_64 = tpu.memref_slice %arg11[%add3A_16, %dma_start3A_63] : memref<10240x128xf32, #tpu.memory_space<vmem_shared>> -> memref<64x128xf32, #tpu.memory_space<vmem_shared>>
      tpu.enqueue_dma source(%arg9 : memref<64x128xf32, #tpu.memory_space<vmem>>) target(%dma_start3A_64 : memref<64x128xf32, #tpu.memory_space<vmem_shared>>) target_semaphore(%run_scoped3A : memref<!tpu.dma_semaphore, #tpu.memory_space<semaphore_mem>>)
      %dma_wait3A_65 = arith.constant 0 : i32
      %dma_wait3A_66 = tpu.memref_slice %arg11[%add3A_16, %dma_wait3A_65] : memref<10240x128xf32, #tpu.memory_space<vmem_shared>> -> memref<64x128xf32, #tpu.memory_space<vmem_shared>>
      %dma_wait3A_67 = arith.constant 0 : i32
      %dma_wait3A_68 = tpu.memref_slice %arg11[%add3A_16, %dma_wait3A_67] : memref<10240x128xf32, #tpu.memory_space<vmem_shared>> -> memref<64x128xf32, #tpu.memory_space<vmem_shared>>
      tpu.wait_dma2 semaphore(%run_scoped3A : memref<!tpu.dma_semaphore, #tpu.memory_space<semaphore_mem>>) src(%arg9 : memref<64x128xf32, #tpu.memory_space<vmem>>) dst(%dma_wait3A_68 : memref<64x128xf32, #tpu.memory_space<vmem_shared>>)
      tpu.yield
    }) : () -> ()
    %mul3A_17 = arith.constant 640 : i32
    %mul3A_18 = arith.muli %arg1, %mul3A_17 : i32
    %add3A_19 = arith.constant 192 : i32
    %add3A_20 = arith.addi %mul3A_18, %add3A_19 : i32
    "tpu.region"() ({
      %run_scoped3A = tpu.sem_alloc : memref<!tpu.dma_semaphore, #tpu.memory_space<semaphore_mem>>
      %dma_start3A_61 = arith.constant 0 : i32
      %dma_start3A_62 = tpu.memref_slice %arg11[%add3A_20, %dma_start3A_61] : memref<10240x128xf32, #tpu.memory_space<vmem_shared>> -> memref<64x128xf32, #tpu.memory_space<vmem_shared>>
      %dma_start3A_63 = arith.constant 0 : i32
      %dma_start3A_64 = tpu.memref_slice %arg11[%add3A_20, %dma_start3A_63] : memref<10240x128xf32, #tpu.memory_space<vmem_shared>> -> memref<64x128xf32, #tpu.memory_space<vmem_shared>>
      tpu.enqueue_dma source(%arg9 : memref<64x128xf32, #tpu.memory_space<vmem>>) target(%dma_start3A_64 : memref<64x128xf32, #tpu.memory_space<vmem_shared>>) target_semaphore(%run_scoped3A : memref<!tpu.dma_semaphore, #tpu.memory_space<semaphore_mem>>)
      %dma_wait3A_65 = arith.constant 0 : i32
      %dma_wait3A_66 = tpu.memref_slice %arg11[%add3A_20, %dma_wait3A_65] : memref<10240x128xf32, #tpu.memory_space<vmem_shared>> -> memref<64x128xf32, #tpu.memory_space<vmem_shared>>
      %dma_wait3A_67 = arith.constant 0 : i32
      %dma_wait3A_68 = tpu.memref_slice %arg11[%add3A_20, %dma_wait3A_67] : memref<10240x128xf32, #tpu.memory_space<vmem_shared>> -> memref<64x128xf32, #tpu.memory_space<vmem_shared>>
      tpu.wait_dma2 semaphore(%run_scoped3A : memref<!tpu.dma_semaphore, #tpu.memory_space<semaphore_mem>>) src(%arg9 : memref<64x128xf32, #tpu.memory_space<vmem>>) dst(%dma_wait3A_68 : memref<64x128xf32, #tpu.memory_space<vmem_shared>>)
      tpu.yield
    }) : () -> ()
    %mul3A_21 = arith.constant 640 : i32
    %mul3A_22 = arith.muli %arg1, %mul3A_21 : i32
    %add3A_23 = arith.constant 256 : i32
    %add3A_24 = arith.addi %mul3A_22, %add3A_23 : i32
    "tpu.region"() ({
      %run_scoped3A = tpu.sem_alloc : memref<!tpu.dma_semaphore, #tpu.memory_space<semaphore_mem>>
      %dma_start3A_61 = arith.constant 0 : i32
      %dma_start3A_62 = tpu.memref_slice %arg11[%add3A_24, %dma_start3A_61] : memref<10240x128xf32, #tpu.memory_space<vmem_shared>> -> memref<64x128xf32, #tpu.memory_space<vmem_shared>>
      %dma_start3A_63 = arith.constant 0 : i32
      %dma_start3A_64 = tpu.memref_slice %arg11[%add3A_24, %dma_start3A_63] : memref<10240x128xf32, #tpu.memory_space<vmem_shared>> -> memref<64x128xf32, #tpu.memory_space<vmem_shared>>
      tpu.enqueue_dma source(%arg9 : memref<64x128xf32, #tpu.memory_space<vmem>>) target(%dma_start3A_64 : memref<64x128xf32, #tpu.memory_space<vmem_shared>>) target_semaphore(%run_scoped3A : memref<!tpu.dma_semaphore, #tpu.memory_space<semaphore_mem>>)
      %dma_wait3A_65 = arith.constant 0 : i32
      %dma_wait3A_66 = tpu.memref_slice %arg11[%add3A_24, %dma_wait3A_65] : memref<10240x128xf32, #tpu.memory_space<vmem_shared>> -> memref<64x128xf32, #tpu.memory_space<vmem_shared>>
      %dma_wait3A_67 = arith.constant 0 : i32
      %dma_wait3A_68 = tpu.memref_slice %arg11[%add3A_24, %dma_wait3A_67] : memref<10240x128xf32, #tpu.memory_space<vmem_shared>> -> memref<64x128xf32, #tpu.memory_space<vmem_shared>>
      tpu.wait_dma2 semaphore(%run_scoped3A : memref<!tpu.dma_semaphore, #tpu.memory_space<semaphore_mem>>) src(%arg9 : memref<64x128xf32, #tpu.memory_space<vmem>>) dst(%dma_wait3A_68 : memref<64x128xf32, #tpu.memory_space<vmem_shared>>)
      tpu.yield
    }) : () -> ()
    %mul3A_25 = arith.constant 640 : i32
    %mul3A_26 = arith.muli %arg1, %mul3A_25 : i32
    %add3A_27 = arith.constant 320 : i32
    %add3A_28 = arith.addi %mul3A_26, %add3A_27 : i32
    "tpu.region"() ({
      %run_scoped3A = tpu.sem_alloc : memref<!tpu.dma_semaphore, #tpu.memory_space<semaphore_mem>>
      %dma_start3A_61 = arith.constant 0 : i32
      %dma_start3A_62 = tpu.memref_slice %arg11[%add3A_28, %dma_start3A_61] : memref<10240x128xf32, #tpu.memory_space<vmem_shared>> -> memref<64x128xf32, #tpu.memory_space<vmem_shared>>
      %dma_start3A_63 = arith.constant 0 : i32
      %dma_start3A_64 = tpu.memref_slice %arg11[%add3A_28, %dma_start3A_63] : memref<10240x128xf32, #tpu.memory_space<vmem_shared>> -> memref<64x128xf32, #tpu.memory_space<vmem_shared>>
      tpu.enqueue_dma source(%arg9 : memref<64x128xf32, #tpu.memory_space<vmem>>) target(%dma_start3A_64 : memref<64x128xf32, #tpu.memory_space<vmem_shared>>) target_semaphore(%run_scoped3A : memref<!tpu.dma_semaphore, #tpu.memory_space<semaphore_mem>>)
      %dma_wait3A_65 = arith.constant 0 : i32
      %dma_wait3A_66 = tpu.memref_slice %arg11[%add3A_28, %dma_wait3A_65] : memref<10240x128xf32, #tpu.memory_space<vmem_shared>> -> memref<64x128xf32, #tpu.memory_space<vmem_shared>>
      %dma_wait3A_67 = arith.constant 0 : i32
      %dma_wait3A_68 = tpu.memref_slice %arg11[%add3A_28, %dma_wait3A_67] : memref<10240x128xf32, #tpu.memory_space<vmem_shared>> -> memref<64x128xf32, #tpu.memory_space<vmem_shared>>
      tpu.wait_dma2 semaphore(%run_scoped3A : memref<!tpu.dma_semaphore, #tpu.memory_space<semaphore_mem>>) src(%arg9 : memref<64x128xf32, #tpu.memory_space<vmem>>) dst(%dma_wait3A_68 : memref<64x128xf32, #tpu.memory_space<vmem_shared>>)
      tpu.yield
    }) : () -> ()
    %mul3A_29 = arith.constant 640 : i32
    %mul3A_30 = arith.muli %arg1, %mul3A_29 : i32
    %add3A_31 = arith.constant 384 : i32
    %add3A_32 = arith.addi %mul3A_30, %add3A_31 : i32
    "tpu.region"() ({
      %run_scoped3A = tpu.sem_alloc : memref<!tpu.dma_semaphore, #tpu.memory_space<semaphore_mem>>
      %dma_start3A_61 = arith.constant 0 : i32
      %dma_start3A_62 = tpu.memref_slice %arg11[%add3A_32, %dma_start3A_61] : memref<10240x128xf32, #tpu.memory_space<vmem_shared>> -> memref<64x128xf32, #tpu.memory_space<vmem_shared>>
      %dma_start3A_63 = arith.constant 0 : i32
      %dma_start3A_64 = tpu.memref_slice %arg11[%add3A_32, %dma_start3A_63] : memref<10240x128xf32, #tpu.memory_space<vmem_shared>> -> memref<64x128xf32, #tpu.memory_space<vmem_shared>>
      tpu.enqueue_dma source(%arg9 : memref<64x128xf32, #tpu.memory_space<vmem>>) target(%dma_start3A_64 : memref<64x128xf32, #tpu.memory_space<vmem_shared>>) target_semaphore(%run_scoped3A : memref<!tpu.dma_semaphore, #tpu.memory_space<semaphore_mem>>)
      %dma_wait3A_65 = arith.constant 0 : i32
      %dma_wait3A_66 = tpu.memref_slice %arg11[%add3A_32, %dma_wait3A_65] : memref<10240x128xf32, #tpu.memory_space<vmem_shared>> -> memref<64x128xf32, #tpu.memory_space<vmem_shared>>
      %dma_wait3A_67 = arith.constant 0 : i32
      %dma_wait3A_68 = tpu.memref_slice %arg11[%add3A_32, %dma_wait3A_67] : memref<10240x128xf32, #tpu.memory_space<vmem_shared>> -> memref<64x128xf32, #tpu.memory_space<vmem_shared>>
      tpu.wait_dma2 semaphore(%run_scoped3A : memref<!tpu.dma_semaphore, #tpu.memory_space<semaphore_mem>>) src(%arg9 : memref<64x128xf32, #tpu.memory_space<vmem>>) dst(%dma_wait3A_68 : memref<64x128xf32, #tpu.memory_space<vmem_shared>>)
      tpu.yield
    }) : () -> ()
    %mul3A_33 = arith.constant 640 : i32
    %mul3A_34 = arith.muli %arg1, %mul3A_33 : i32
    %add3A_35 = arith.constant 448 : i32
    %add3A_36 = arith.addi %mul3A_34, %add3A_35 : i32
    "tpu.region"() ({
      %run_scoped3A = tpu.sem_alloc : memref<!tpu.dma_semaphore, #tpu.memory_space<semaphore_mem>>
      %dma_start3A_61 = arith.constant 0 : i32
      %dma_start3A_62 = tpu.memref_slice %arg11[%add3A_36, %dma_start3A_61] : memref<10240x128xf32, #tpu.memory_space<vmem_shared>> -> memref<64x128xf32, #tpu.memory_space<vmem_shared>>
      %dma_start3A_63 = arith.constant 0 : i32
      %dma_start3A_64 = tpu.memref_slice %arg11[%add3A_36, %dma_start3A_63] : memref<10240x128xf32, #tpu.memory_space<vmem_shared>> -> memref<64x128xf32, #tpu.memory_space<vmem_shared>>
      tpu.enqueue_dma source(%arg9 : memref<64x128xf32, #tpu.memory_space<vmem>>) target(%dma_start3A_64 : memref<64x128xf32, #tpu.memory_space<vmem_shared>>) target_semaphore(%run_scoped3A : memref<!tpu.dma_semaphore, #tpu.memory_space<semaphore_mem>>)
      %dma_wait3A_65 = arith.constant 0 : i32
      %dma_wait3A_66 = tpu.memref_slice %arg11[%add3A_36, %dma_wait3A_65] : memref<10240x128xf32, #tpu.memory_space<vmem_shared>> -> memref<64x128xf32, #tpu.memory_space<vmem_shared>>
      %dma_wait3A_67 = arith.constant 0 : i32
      %dma_wait3A_68 = tpu.memref_slice %arg11[%add3A_36, %dma_wait3A_67] : memref<10240x128xf32, #tpu.memory_space<vmem_shared>> -> memref<64x128xf32, #tpu.memory_space<vmem_shared>>
      tpu.wait_dma2 semaphore(%run_scoped3A : memref<!tpu.dma_semaphore, #tpu.memory_space<semaphore_mem>>) src(%arg9 : memref<64x128xf32, #tpu.memory_space<vmem>>) dst(%dma_wait3A_68 : memref<64x128xf32, #tpu.memory_space<vmem_shared>>)
      tpu.yield
    }) : () -> ()
    %mul3A_37 = arith.constant 640 : i32
    %mul3A_38 = arith.muli %arg1, %mul3A_37 : i32
    %add3A_39 = arith.constant 512 : i32
    %add3A_40 = arith.addi %mul3A_38, %add3A_39 : i32
    "tpu.region"() ({
      %run_scoped3A = tpu.sem_alloc : memref<!tpu.dma_semaphore, #tpu.memory_space<semaphore_mem>>
      %dma_start3A_61 = arith.constant 0 : i32
      %dma_start3A_62 = tpu.memref_slice %arg11[%add3A_40, %dma_start3A_61] : memref<10240x128xf32, #tpu.memory_space<vmem_shared>> -> memref<64x128xf32, #tpu.memory_space<vmem_shared>>
      %dma_start3A_63 = arith.constant 0 : i32
      %dma_start3A_64 = tpu.memref_slice %arg11[%add3A_40, %dma_start3A_63] : memref<10240x128xf32, #tpu.memory_space<vmem_shared>> -> memref<64x128xf32, #tpu.memory_space<vmem_shared>>
      tpu.enqueue_dma source(%arg9 : memref<64x128xf32, #tpu.memory_space<vmem>>) target(%dma_start3A_64 : memref<64x128xf32, #tpu.memory_space<vmem_shared>>) target_semaphore(%run_scoped3A : memref<!tpu.dma_semaphore, #tpu.memory_space<semaphore_mem>>)
      %dma_wait3A_65 = arith.constant 0 : i32
      %dma_wait3A_66 = tpu.memref_slice %arg11[%add3A_40, %dma_wait3A_65] : memref<10240x128xf32, #tpu.memory_space<vmem_shared>> -> memref<64x128xf32, #tpu.memory_space<vmem_shared>>
      %dma_wait3A_67 = arith.constant 0 : i32
      %dma_wait3A_68 = tpu.memref_slice %arg11[%add3A_40, %dma_wait3A_67] : memref<10240x128xf32, #tpu.memory_space<vmem_shared>> -> memref<64x128xf32, #tpu.memory_space<vmem_shared>>
      tpu.wait_dma2 semaphore(%run_scoped3A : memref<!tpu.dma_semaphore, #tpu.memory_space<semaphore_mem>>) src(%arg9 : memref<64x128xf32, #tpu.memory_space<vmem>>) dst(%dma_wait3A_68 : memref<64x128xf32, #tpu.memory_space<vmem_shared>>)
      tpu.yield
    }) : () -> ()
    %mul3A_41 = arith.constant 640 : i32
    %mul3A_42 = arith.muli %arg1, %mul3A_41 : i32
    %add3A_43 = arith.constant 576 : i32
    %add3A_44 = arith.addi %mul3A_42, %add3A_43 : i32
    "tpu.region"() ({
      %run_scoped3A = tpu.sem_alloc : memref<!tpu.dma_semaphore, #tpu.memory_space<semaphore_mem>>
      %dma_start3A_61 = arith.constant 0 : i32
      %dma_start3A_62 = tpu.memref_slice %arg11[%add3A_44, %dma_start3A_61] : memref<10240x128xf32, #tpu.memory_space<vmem_shared>> -> memref<64x128xf32, #tpu.memory_space<vmem_shared>>
      %dma_start3A_63 = arith.constant 0 : i32
      %dma_start3A_64 = tpu.memref_slice %arg11[%add3A_44, %dma_start3A_63] : memref<10240x128xf32, #tpu.memory_space<vmem_shared>> -> memref<64x128xf32, #tpu.memory_space<vmem_shared>>
      tpu.enqueue_dma source(%arg9 : memref<64x128xf32, #tpu.memory_space<vmem>>) target(%dma_start3A_64 : memref<64x128xf32, #tpu.memory_space<vmem_shared>>) target_semaphore(%run_scoped3A : memref<!tpu.dma_semaphore, #tpu.memory_space<semaphore_mem>>)
      %dma_wait3A_65 = arith.constant 0 : i32
      %dma_wait3A_66 = tpu.memref_slice %arg11[%add3A_44, %dma_wait3A_65] : memref<10240x128xf32, #tpu.memory_space<vmem_shared>> -> memref<64x128xf32, #tpu.memory_space<vmem_shared>>
      %dma_wait3A_67 = arith.constant 0 : i32
      %dma_wait3A_68 = tpu.memref_slice %arg11[%add3A_44, %dma_wait3A_67] : memref<10240x128xf32, #tpu.memory_space<vmem_shared>> -> memref<64x128xf32, #tpu.memory_space<vmem_shared>>
      tpu.wait_dma2 semaphore(%run_scoped3A : memref<!tpu.dma_semaphore, #tpu.memory_space<semaphore_mem>>) src(%arg9 : memref<64x128xf32, #tpu.memory_space<vmem>>) dst(%dma_wait3A_68 : memref<64x128xf32, #tpu.memory_space<vmem_shared>>)
      tpu.yield
    }) : () -> ()
    %barrier3A = arith.constant 0 : index
    tpu.barrier barrier_id(%barrier3A)
    "tpu.region"() ({
      %run_scoped3A = tpu.sem_alloc : memref<!tpu.dma_semaphore, #tpu.memory_space<semaphore_mem>>
      %dma_start3A_61 = tpu.memref_slice %arg3[%mul3A_4] : memref<323584xi32, #tpu.memory_space<hbm>> -> memref<10112xi32, #tpu.memory_space<hbm>>
      %dma_start3A_62 = tpu.memref_slice %arg3[%mul3A_4] : memref<323584xi32, #tpu.memory_space<hbm>> -> memref<10112xi32, #tpu.memory_space<hbm>>
      tpu.enqueue_dma source(%dma_start3A_62 : memref<10112xi32, #tpu.memory_space<hbm>>) target(%arg7 : memref<10112xi32, #tpu.memory_space<vmem>>) target_semaphore(%run_scoped3A : memref<!tpu.dma_semaphore, #tpu.memory_space<semaphore_mem>>)
      %dma_wait3A_63 = tpu.memref_slice %arg3[%mul3A_4] : memref<323584xi32, #tpu.memory_space<hbm>> -> memref<10112xi32, #tpu.memory_space<hbm>>
      %dma_wait3A_64 = tpu.memref_slice %arg3[%mul3A_4] : memref<323584xi32, #tpu.memory_space<hbm>> -> memref<10112xi32, #tpu.memory_space<hbm>>
      tpu.wait_dma2 semaphore(%run_scoped3A : memref<!tpu.dma_semaphore, #tpu.memory_space<semaphore_mem>>) src(%dma_wait3A_64 : memref<10112xi32, #tpu.memory_space<hbm>>) dst(%arg7 : memref<10112xi32, #tpu.memory_space<vmem>>)
      tpu.yield
    }) : () -> ()
    "tpu.region"() ({
      %run_scoped3A = tpu.sem_alloc : memref<!tpu.dma_semaphore, #tpu.memory_space<semaphore_mem>>
      %dma_start3A_61 = tpu.memref_slice %arg4[%mul3A_4] : memref<323584xi32, #tpu.memory_space<hbm>> -> memref<10112xi32, #tpu.memory_space<hbm>>
      %dma_start3A_62 = tpu.memref_slice %arg4[%mul3A_4] : memref<323584xi32, #tpu.memory_space<hbm>> -> memref<10112xi32, #tpu.memory_space<hbm>>
      tpu.enqueue_dma source(%dma_start3A_62 : memref<10112xi32, #tpu.memory_space<hbm>>) target(%arg8 : memref<10112xi32, #tpu.memory_space<vmem>>) target_semaphore(%run_scoped3A : memref<!tpu.dma_semaphore, #tpu.memory_space<semaphore_mem>>)
      %dma_wait3A_63 = tpu.memref_slice %arg4[%mul3A_4] : memref<323584xi32, #tpu.memory_space<hbm>> -> memref<10112xi32, #tpu.memory_space<hbm>>
      %dma_wait3A_64 = tpu.memref_slice %arg4[%mul3A_4] : memref<323584xi32, #tpu.memory_space<hbm>> -> memref<10112xi32, #tpu.memory_space<hbm>>
      tpu.wait_dma2 semaphore(%run_scoped3A : memref<!tpu.dma_semaphore, #tpu.memory_space<semaphore_mem>>) src(%dma_wait3A_64 : memref<10112xi32, #tpu.memory_space<hbm>>) dst(%arg8 : memref<10112xi32, #tpu.memory_space<vmem>>)
      tpu.yield
    }) : () -> ()
    %dma_start3A = arith.constant 0 : i32
    %dma_start3A_45 = tpu.memref_slice %arg7[%dma_start3A] : memref<10112xi32, #tpu.memory_space<vmem>> -> memref<64xi32, #tpu.memory_space<vmem>>
    %dma_start3A_46 = arith.constant 0 : i32
    %dma_start3A_47 = arith.constant 0 : i32
    %dma_start3A_48 = tpu.memref_slice %arg2[%dma_start3A_46, %dma_start3A_47] : memref<10240x128xf32, #tpu.memory_space<hbm>> -> memref<10240x128xf32, #tpu.memory_space<hbm>>
    tpu.enqueue_indirect_dma source(%dma_start3A_48 : memref<10240x128xf32, #tpu.memory_space<hbm>>) target(%arg9 : memref<64x128xf32, #tpu.memory_space<vmem>>) offsets(%dma_start3A_45 : memref<64xi32, #tpu.memory_space<vmem>>) semaphore(%arg12 : memref<!tpu.dma_semaphore, #tpu.memory_space<semaphore_mem>>)
    %scan3A = arith.constant 0 : i32
    %scan3A_49 = arith.constant 0 : i32
    %scan3A_50 = arith.constant 79 : i32
    %scan3A_51 = arith.addi %scan3A_49, %scan3A_50 : i32
    %scan3A_52 = arith.constant 1 : i32
    scf.for %scan3A_61 = %scan3A_49 to %scan3A_51 step %scan3A_52  : i32 {
      %mul3A_62 = arith.constant 2 : i32
      %mul3A_63 = arith.muli %mul3A_62, %scan3A_61 : i32
      %mul3A_64 = arith.constant 64 : i32
      %mul3A_65 = arith.muli %mul3A_63, %mul3A_64 : i32
      %add3A_66 = arith.constant 64 : i32
      %add3A_67 = arith.addi %mul3A_65, %add3A_66 : i32
      %add3A_68 = arith.constant 64 : i32
      %add3A_69 = arith.addi %add3A_67, %add3A_68 : i32
      %min3A = arith.constant 10048 : i32
      %min3A_70 = arith.minsi %add3A_69, %min3A : i32
      %dma_wait3A_71 = tpu.memref_slice %arg7[%mul3A_65] : memref<10112xi32, #tpu.memory_space<vmem>> -> memref<64xi32, #tpu.memory_space<vmem>>
      %dma_wait3A_72 = arith.constant 0 : i32
      %dma_wait3A_73 = arith.constant 0 : i32
      %dma_wait3A_74 = tpu.memref_slice %arg2[%dma_wait3A_72, %dma_wait3A_73] : memref<10240x128xf32, #tpu.memory_space<hbm>> -> memref<10240x128xf32, #tpu.memory_space<hbm>>
      tpu.wait_indirect_dma semaphore(%arg12 : memref<!tpu.dma_semaphore, #tpu.memory_space<semaphore_mem>>) src(%dma_wait3A_74 : memref<10240x128xf32, #tpu.memory_space<hbm>>) dst(%arg9 : memref<64x128xf32, #tpu.memory_space<vmem>>)
      %dma_start3A_75 = tpu.memref_slice %arg7[%add3A_67] : memref<10112xi32, #tpu.memory_space<vmem>> -> memref<64xi32, #tpu.memory_space<vmem>>
      %dma_start3A_76 = arith.constant 0 : i32
      %dma_start3A_77 = arith.constant 0 : i32
      %dma_start3A_78 = tpu.memref_slice %arg2[%dma_start3A_76, %dma_start3A_77] : memref<10240x128xf32, #tpu.memory_space<hbm>> -> memref<10240x128xf32, #tpu.memory_space<hbm>>
      tpu.enqueue_indirect_dma source(%dma_start3A_78 : memref<10240x128xf32, #tpu.memory_space<hbm>>) target(%arg10 : memref<64x128xf32, #tpu.memory_space<vmem>>) offsets(%dma_start3A_75 : memref<64xi32, #tpu.memory_space<vmem>>) semaphore(%arg13 : memref<!tpu.dma_semaphore, #tpu.memory_space<semaphore_mem>>)
      "tpu.region"() ({
        %run_scoped3A = tpu.sem_alloc : memref<!tpu.dma_semaphore, #tpu.memory_space<semaphore_mem>>
        %dma_start3A_87 = tpu.memref_slice %arg8[%mul3A_65] : memref<10112xi32, #tpu.memory_space<vmem>> -> memref<64xi32, #tpu.memory_space<vmem>>
        %dma_start3A_88 = arith.constant 0 : i32
        %dma_start3A_89 = arith.constant 0 : i32
        %dma_start3A_90 = tpu.memref_slice %arg11[%dma_start3A_88, %dma_start3A_89] : memref<10240x128xf32, #tpu.memory_space<vmem_shared>> -> memref<10240x128xf32, #tpu.memory_space<vmem_shared>>
        tpu.enqueue_indirect_dma source(%arg9 : memref<64x128xf32, #tpu.memory_space<vmem>>) target(%dma_start3A_90 : memref<10240x128xf32, #tpu.memory_space<vmem_shared>>) offsets(%dma_start3A_87 : memref<64xi32, #tpu.memory_space<vmem>>) semaphore(%run_scoped3A : memref<!tpu.dma_semaphore, #tpu.memory_space<semaphore_mem>>) {add = true}
        %dma_wait3A_91 = tpu.memref_slice %arg8[%mul3A_65] : memref<10112xi32, #tpu.memory_space<vmem>> -> memref<64xi32, #tpu.memory_space<vmem>>
        %dma_wait3A_92 = arith.constant 0 : i32
        %dma_wait3A_93 = arith.constant 0 : i32
        %dma_wait3A_94 = tpu.memref_slice %arg11[%dma_wait3A_92, %dma_wait3A_93] : memref<10240x128xf32, #tpu.memory_space<vmem_shared>> -> memref<10240x128xf32, #tpu.memory_space<vmem_shared>>
        tpu.wait_indirect_dma semaphore(%run_scoped3A : memref<!tpu.dma_semaphore, #tpu.memory_space<semaphore_mem>>) src(%arg9 : memref<64x128xf32, #tpu.memory_space<vmem>>) dst(%dma_wait3A_94 : memref<10240x128xf32, #tpu.memory_space<vmem_shared>>)
        tpu.yield
      }) : () -> ()
      %dma_wait3A_79 = tpu.memref_slice %arg7[%add3A_67] : memref<10112xi32, #tpu.memory_space<vmem>> -> memref<64xi32, #tpu.memory_space<vmem>>
      %dma_wait3A_80 = arith.constant 0 : i32
      %dma_wait3A_81 = arith.constant 0 : i32
      %dma_wait3A_82 = tpu.memref_slice %arg2[%dma_wait3A_80, %dma_wait3A_81] : memref<10240x128xf32, #tpu.memory_space<hbm>> -> memref<10240x128xf32, #tpu.memory_space<hbm>>
      tpu.wait_indirect_dma semaphore(%arg13 : memref<!tpu.dma_semaphore, #tpu.memory_space<semaphore_mem>>) src(%dma_wait3A_82 : memref<10240x128xf32, #tpu.memory_space<hbm>>) dst(%arg10 : memref<64x128xf32, #tpu.memory_space<vmem>>)
      %dma_start3A_83 = tpu.memref_slice %arg7[%min3A_70] : memref<10112xi32, #tpu.memory_space<vmem>> -> memref<64xi32, #tpu.memory_space<vmem>>
      %dma_start3A_84 = arith.constant 0 : i32
      %dma_start3A_85 = arith.constant 0 : i32
      %dma_start3A_86 = tpu.memref_slice %arg2[%dma_start3A_84, %dma_start3A_85] : memref<10240x128xf32, #tpu.memory_space<hbm>> -> memref<10240x128xf32, #tpu.memory_space<hbm>>
      tpu.enqueue_indirect_dma source(%dma_start3A_86 : memref<10240x128xf32, #tpu.memory_space<hbm>>) target(%arg9 : memref<64x128xf32, #tpu.memory_space<vmem>>) offsets(%dma_start3A_83 : memref<64xi32, #tpu.memory_space<vmem>>) semaphore(%arg12 : memref<!tpu.dma_semaphore, #tpu.memory_space<semaphore_mem>>)
      "tpu.region"() ({
        %run_scoped3A = tpu.sem_alloc : memref<!tpu.dma_semaphore, #tpu.memory_space<semaphore_mem>>
        %dma_start3A_87 = tpu.memref_slice %arg8[%add3A_67] : memref<10112xi32, #tpu.memory_space<vmem>> -> memref<64xi32, #tpu.memory_space<vmem>>
        %dma_start3A_88 = arith.constant 0 : i32
        %dma_start3A_89 = arith.constant 0 : i32
        %dma_start3A_90 = tpu.memref_slice %arg11[%dma_start3A_88, %dma_start3A_89] : memref<10240x128xf32, #tpu.memory_space<vmem_shared>> -> memref<10240x128xf32, #tpu.memory_space<vmem_shared>>
        tpu.enqueue_indirect_dma source(%arg10 : memref<64x128xf32, #tpu.memory_space<vmem>>) target(%dma_start3A_90 : memref<10240x128xf32, #tpu.memory_space<vmem_shared>>) offsets(%dma_start3A_87 : memref<64xi32, #tpu.memory_space<vmem>>) semaphore(%run_scoped3A : memref<!tpu.dma_semaphore, #tpu.memory_space<semaphore_mem>>) {add = true}
        %dma_wait3A_91 = tpu.memref_slice %arg8[%add3A_67] : memref<10112xi32, #tpu.memory_space<vmem>> -> memref<64xi32, #tpu.memory_space<vmem>>
        %dma_wait3A_92 = arith.constant 0 : i32
        %dma_wait3A_93 = arith.constant 0 : i32
        %dma_wait3A_94 = tpu.memref_slice %arg11[%dma_wait3A_92, %dma_wait3A_93] : memref<10240x128xf32, #tpu.memory_space<vmem_shared>> -> memref<10240x128xf32, #tpu.memory_space<vmem_shared>>
        tpu.wait_indirect_dma semaphore(%run_scoped3A : memref<!tpu.dma_semaphore, #tpu.memory_space<semaphore_mem>>) src(%arg10 : memref<64x128xf32, #tpu.memory_space<vmem>>) dst(%dma_wait3A_94 : memref<10240x128xf32, #tpu.memory_space<vmem_shared>>)
        tpu.yield
      }) : () -> ()
    }
    %scan3A_53 = arith.constant 79 : i32
    %dma_wait3A = arith.constant 0 : i32
    %dma_wait3A_54 = tpu.memref_slice %arg7[%dma_wait3A] : memref<10112xi32, #tpu.memory_space<vmem>> -> memref<64xi32, #tpu.memory_space<vmem>>
    %dma_wait3A_55 = arith.constant 0 : i32
    %dma_wait3A_56 = arith.constant 0 : i32
    %dma_wait3A_57 = tpu.memref_slice %arg2[%dma_wait3A_55, %dma_wait3A_56] : memref<10240x128xf32, #tpu.memory_space<hbm>> -> memref<10240x128xf32, #tpu.memory_space<hbm>>
    tpu.wait_indirect_dma semaphore(%arg12 : memref<!tpu.dma_semaphore, #tpu.memory_space<semaphore_mem>>) src(%dma_wait3A_57 : memref<10240x128xf32, #tpu.memory_space<hbm>>) dst(%arg9 : memref<64x128xf32, #tpu.memory_space<vmem>>)
    %barrier3A_58 = arith.constant 0 : index
    tpu.barrier barrier_id(%barrier3A_58)
    %mul3A_59 = arith.constant 640 : i32
    %mul3A_60 = arith.muli %arg1, %mul3A_59 : i32
    "tpu.region"() ({
      %run_scoped3A = tpu.sem_alloc : memref<!tpu.dma_semaphore, #tpu.memory_space<semaphore_mem>>
      %dma_start3A_61 = arith.constant 0 : i32
      %dma_start3A_62 = tpu.memref_slice %arg6[%arg0, %mul3A_60, %dma_start3A_61] : memref<2x10240x128xf32, #tpu.memory_space<hbm>> -> memref<1x640x128xf32, #tpu.memory_space<hbm>>
      %dma_start3A_63 = tpu.memref_squeeze %dma_start3A_62 : memref<1x640x128xf32, #tpu.memory_space<hbm>> -> memref<640x128xf32, #tpu.memory_space<hbm>>
      %dma_start3A_64 = arith.constant 0 : i32
      %dma_start3A_65 = tpu.memref_slice %arg11[%mul3A_60, %dma_start3A_64] : memref<10240x128xf32, #tpu.memory_space<vmem_shared>> -> memref<640x128xf32, #tpu.memory_space<vmem_shared>>
      tpu.enqueue_dma source(%dma_start3A_65 : memref<640x128xf32, #tpu.memory_space<vmem_shared>>) target(%dma_start3A_63 : memref<640x128xf32, #tpu.memory_space<hbm>>) target_semaphore(%run_scoped3A : memref<!tpu.dma_semaphore, #tpu.memory_space<semaphore_mem>>)
      %dma_wait3A_66 = arith.constant 0 : i32
      %dma_wait3A_67 = tpu.memref_slice %arg6[%arg0, %mul3A_60, %dma_wait3A_66] : memref<2x10240x128xf32, #tpu.memory_space<hbm>> -> memref<1x640x128xf32, #tpu.memory_space<hbm>>
      %dma_wait3A_68 = tpu.memref_squeeze %dma_wait3A_67 : memref<1x640x128xf32, #tpu.memory_space<hbm>> -> memref<640x128xf32, #tpu.memory_space<hbm>>
      %dma_wait3A_69 = arith.constant 0 : i32
      %dma_wait3A_70 = tpu.memref_slice %arg11[%mul3A_60, %dma_wait3A_69] : memref<10240x128xf32, #tpu.memory_space<vmem_shared>> -> memref<640x128xf32, #tpu.memory_space<vmem_shared>>
      tpu.wait_dma2 semaphore(%run_scoped3A : memref<!tpu.dma_semaphore, #tpu.memory_space<semaphore_mem>>) src(%dma_wait3A_70 : memref<640x128xf32, #tpu.memory_space<vmem_shared>>) dst(%dma_wait3A_68 : memref<640x128xf32, #tpu.memory_space<hbm>>)
      tpu.yield
    }) : () -> ()
    return
  }
}

module attributes {stable_mosaic.version = 14 : i64} {
  func.func @_dense1_body(%arg0: memref<10000x128xf32, #tpu.memory_space<vmem>>, %arg1: memref<128x128xf32, #tpu.memory_space<vmem>>, %arg2: memref<10240x2xf32, #tpu.memory_space<vmem>>, %arg3: memref<10240x1xf32, #tpu.memory_space<vmem>>, %arg4: memref<10240x128xf32, #tpu.memory_space<vmem>>) attributes {dimension_semantics = [], scalar_prefetch = 0 : i64, scratch_operands = 0 : i64, tpu.core_type = #tpu.core_type<tc>} {
    %get3A = arith.constant 0 : index
    %get3A_0 = arith.constant 0 : index
    %get3A_1 = vector.load %arg2[%get3A, %get3A_0] : memref<10240x2xf32, #tpu.memory_space<vmem>>, vector<10240x1xf32>
    %get3A_2 = arith.constant 0 : index
    %get3A_3 = arith.constant 1 : index
    %get3A_4 = vector.load %arg2[%get3A_2, %get3A_3] : memref<10240x2xf32, #tpu.memory_space<vmem>>, vector<10240x1xf32>
    %add3A = arith.addf %get3A_1, %get3A_4 : vector<10240x1xf32>
    %add3A_5 = arith.constant 1.000000e+00 : f32
    %add3A_6 = vector.broadcast %add3A_5 : f32 to vector<10240x1xf32>
    %add3A_7 = arith.addf %add3A, %add3A_6 : vector<10240x1xf32>
    %rsqrt3A = math.rsqrt %add3A_7 : vector<10240x1xf32>
    %swap3A = arith.constant 0 : index
    %swap3A_8 = arith.constant 0 : index
    %swap3A_9 = vector.load %arg3[%swap3A, %swap3A_8] : memref<10240x1xf32, #tpu.memory_space<vmem>>, vector<10240x1xf32>
    tpu.vector_store %arg3[%swap3A, %swap3A_8], %rsqrt3A {strides = array<i32>} : memref<10240x1xf32, #tpu.memory_space<vmem>>, vector<10240x1xf32>,
    %get3A_10 = arith.constant 0 : index
    %get3A_11 = arith.constant 0 : index
    %get3A_12 = vector.load %arg0[%get3A_10, %get3A_11] : memref<10000x128xf32, #tpu.memory_space<vmem>>, vector<10000x128xf32>
    %get3A_13 = arith.constant 0 : index
    %get3A_14 = arith.constant 0 : index
    %get3A_15 = vector.load %arg1[%get3A_13, %get3A_14] : memref<128x128xf32, #tpu.memory_space<vmem>>, vector<128x128xf32>
    %dot_general3A = arith.constant dense<0.000000e+00> : vector<10000x128xf32>
    %dot_general3A_16 = tpu.matmul %get3A_12, %get3A_15, %dot_general3A {dimension_numbers = #tpu.dot_dimension_numbers<[1], [0], [0], [1], [0, 0, 1, 1], [], []>, transpose_lhs_hint = false} : vector<10000x128xf32>, vector<128x128xf32>, vector<10000x128xf32> -> vector<10000x128xf32>
    %slice3A = vector.extract_strided_slice %rsqrt3A {offsets = [0, 0], sizes = [10000, 1], strides = [1, 1]} : vector<10240x1xf32> to vector<10000x1xf32>
    %mul3A = vector.broadcast %slice3A : vector<10000x1xf32> to vector<10000x128xf32>
    %mul3A_17 = arith.mulf %dot_general3A_16, %mul3A : vector<10000x128xf32>
    %swap3A_18 = arith.constant 0 : index
    %swap3A_19 = arith.constant 0 : index
    %swap3A_20 = vector.load %arg4[%swap3A_18, %swap3A_19] : memref<10240x128xf32, #tpu.memory_space<vmem>>, vector<10000x128xf32>
    tpu.vector_store %arg4[%swap3A_18, %swap3A_19], %mul3A_17 {strides = array<i32>} : memref<10240x128xf32, #tpu.memory_space<vmem>>, vector<10000x128xf32>,
    %broadcast_in_dim3A = arith.constant 0.000000e+00 : f32
    %broadcast_in_dim3A_21 = vector.broadcast %broadcast_in_dim3A : f32 to vector<240x128xf32>
    %swap3A_22 = arith.constant 10000 : index
    %swap3A_23 = arith.constant 0 : index
    %swap3A_24 = vector.load %arg4[%swap3A_22, %swap3A_23] : memref<10240x128xf32, #tpu.memory_space<vmem>>, vector<240x128xf32>
    tpu.vector_store %arg4[%swap3A_22, %swap3A_23], %broadcast_in_dim3A_21 {strides = array<i32>} : memref<10240x128xf32, #tpu.memory_space<vmem>>, vector<240x128xf32>,
    return
  }
}

module attributes {stable_mosaic.version = 14 : i64} {
  func.func @_dense2_body(%arg0: memref<2x10240x128xf32, #tpu.memory_space<vmem>>, %arg1: memref<10240x128xf32, #tpu.memory_space<vmem>>, %arg2: memref<10240x1xf32, #tpu.memory_space<vmem>>, %arg3: memref<128xf32, #tpu.memory_space<vmem>>, %arg4: memref<128xf32, #tpu.memory_space<vmem>>, %arg5: memref<128xf32, #tpu.memory_space<vmem>>, %arg6: memref<128x2xf32, #tpu.memory_space<vmem>>, %arg7: memref<2xf32, #tpu.memory_space<vmem>>, %arg8: memref<10000x2xf32, #tpu.memory_space<vmem>>, %arg9: memref<1x128xf32, #tpu.memory_space<vmem>>) attributes {dimension_semantics = [], scalar_prefetch = 0 : i64, scratch_operands = 0 : i64, tpu.core_type = #tpu.core_type<tc>} {
    %get3A = arith.constant 0 : index
    %get3A_0 = arith.constant 0 : index
    %get3A_1 = arith.constant 0 : index
    %get3A_2 = vector.load %arg0[%get3A, %get3A_0, %get3A_1] : memref<2x10240x128xf32, #tpu.memory_space<vmem>>, vector<1x10000x128xf32>
    %get3A_3 = vector.shape_cast %get3A_2 : vector<1x10000x128xf32> to vector<10000x128xf32>
    %get3A_4 = arith.constant 1 : index
    %get3A_5 = arith.constant 0 : index
    %get3A_6 = arith.constant 0 : index
    %get3A_7 = vector.load %arg0[%get3A_4, %get3A_5, %get3A_6] : memref<2x10240x128xf32, #tpu.memory_space<vmem>>, vector<1x10000x128xf32>
    %get3A_8 = vector.shape_cast %get3A_7 : vector<1x10000x128xf32> to vector<10000x128xf32>
    %add3A = arith.addf %get3A_3, %get3A_8 : vector<10000x128xf32>
    %get3A_9 = arith.constant 0 : index
    %get3A_10 = arith.constant 0 : index
    %get3A_11 = vector.load %arg1[%get3A_9, %get3A_10] : memref<10240x128xf32, #tpu.memory_space<vmem>>, vector<10000x128xf32>
    %add3A_12 = arith.addf %add3A, %get3A_11 : vector<10000x128xf32>
    %get3A_13 = arith.constant 0 : index
    %get3A_14 = arith.constant 0 : index
    %get3A_15 = vector.load %arg2[%get3A_13, %get3A_14] : memref<10240x1xf32, #tpu.memory_space<vmem>>, vector<10000x1xf32>
    %mul3A = vector.broadcast %get3A_15 : vector<10000x1xf32> to vector<10000x128xf32>
    %mul3A_16 = arith.mulf %add3A_12, %mul3A : vector<10000x128xf32>
    %get3A_17 = arith.constant 0 : index
    %get3A_18 = vector.load %arg3[%get3A_17] : memref<128xf32, #tpu.memory_space<vmem>>, vector<128xf32>
    %broadcast_in_dim3A = vector.shape_cast %get3A_18 : vector<128xf32> to vector<1x128xf32>
    %add3A_19 = vector.broadcast %broadcast_in_dim3A : vector<1x128xf32> to vector<10000x128xf32>
    %add3A_20 = arith.addf %mul3A_16, %add3A_19 : vector<10000x128xf32>
    %reduce_sum3A = arith.constant dense<0.000000e+00> : vector<128xf32>
    %reduce_sum3A_21 = vector.multi_reduction <add>, %add3A_20, %reduce_sum3A [0] : vector<10000x128xf32> to vector<128xf32>
    %broadcast_in_dim3A_22 = vector.shape_cast %reduce_sum3A_21 : vector<128xf32> to vector<1x128xf32>
    %div3A = arith.constant 1.000000e+04 : f32
    %div3A_23 = vector.broadcast %div3A : f32 to vector<1x128xf32>
    %div3A_24 = arith.divf %broadcast_in_dim3A_22, %div3A_23 : vector<1x128xf32>
    %sub3A = vector.broadcast %div3A_24 : vector<1x128xf32> to vector<10000x128xf32>
    %sub3A_25 = arith.subf %add3A_20, %sub3A : vector<10000x128xf32>
    %mul3A_26 = arith.mulf %sub3A_25, %sub3A_25 : vector<10000x128xf32>
    %reduce_sum3A_27 = arith.constant dense<0.000000e+00> : vector<128xf32>
    %reduce_sum3A_28 = vector.multi_reduction <add>, %mul3A_26, %reduce_sum3A_27 [0] : vector<10000x128xf32> to vector<128xf32>
    %broadcast_in_dim3A_29 = vector.shape_cast %reduce_sum3A_28 : vector<128xf32> to vector<1x128xf32>
    %div3A_30 = arith.constant 1.000000e+04 : f32
    %div3A_31 = vector.broadcast %div3A_30 : f32 to vector<1x128xf32>
    %div3A_32 = arith.divf %broadcast_in_dim3A_29, %div3A_31 : vector<1x128xf32>
    %add3A_33 = arith.constant 9.99999974E-6 : f32
    %add3A_34 = vector.broadcast %add3A_33 : f32 to vector<1x128xf32>
    %add3A_35 = arith.addf %div3A_32, %add3A_34 : vector<1x128xf32>
    %rsqrt3A = math.rsqrt %add3A_35 : vector<1x128xf32>
    %mul3A_36 = vector.broadcast %rsqrt3A : vector<1x128xf32> to vector<10000x128xf32>
    %mul3A_37 = arith.mulf %sub3A_25, %mul3A_36 : vector<10000x128xf32>
    %get3A_38 = arith.constant 0 : index
    %get3A_39 = vector.load %arg4[%get3A_38] : memref<128xf32, #tpu.memory_space<vmem>>, vector<128xf32>
    %broadcast_in_dim3A_40 = vector.shape_cast %get3A_39 : vector<128xf32> to vector<1x128xf32>
    %mul3A_41 = vector.broadcast %broadcast_in_dim3A_40 : vector<1x128xf32> to vector<10000x128xf32>
    %mul3A_42 = arith.mulf %mul3A_37, %mul3A_41 : vector<10000x128xf32>
    %get3A_43 = arith.constant 0 : index
    %get3A_44 = vector.load %arg5[%get3A_43] : memref<128xf32, #tpu.memory_space<vmem>>, vector<128xf32>
    %broadcast_in_dim3A_45 = vector.shape_cast %get3A_44 : vector<128xf32> to vector<1x128xf32>
    %add3A_46 = vector.broadcast %broadcast_in_dim3A_45 : vector<1x128xf32> to vector<10000x128xf32>
    %add3A_47 = arith.addf %mul3A_42, %add3A_46 : vector<10000x128xf32>
    %slice3A = vector.extract_strided_slice %add3A_47 {offsets = [0, 0], sizes = [1, 128], strides = [1, 1]} : vector<10000x128xf32> to vector<1x128xf32>
    %swap3A = arith.constant 0 : index
    %swap3A_48 = arith.constant 0 : index
    %swap3A_49 = vector.load %arg9[%swap3A, %swap3A_48] : memref<1x128xf32, #tpu.memory_space<vmem>>, vector<1x128xf32>
    tpu.vector_store %arg9[%swap3A, %swap3A_48], %slice3A {strides = array<i32>} : memref<1x128xf32, #tpu.memory_space<vmem>>, vector<1x128xf32>,
    %get3A_50 = arith.constant 0 : index
    %get3A_51 = arith.constant 0 : index
    %get3A_52 = vector.load %arg6[%get3A_50, %get3A_51] : memref<128x2xf32, #tpu.memory_space<vmem>>, vector<128x2xf32>
    %dot_general3A = arith.constant dense<0.000000e+00> : vector<10000x2xf32>
    %dot_general3A_53 = tpu.matmul %add3A_47, %get3A_52, %dot_general3A {dimension_numbers = #tpu.dot_dimension_numbers<[1], [0], [0], [1], [0, 0, 1, 1], [], []>, transpose_lhs_hint = false} : vector<10000x128xf32>, vector<128x2xf32>, vector<10000x2xf32> -> vector<10000x2xf32>
    %get3A_54 = arith.constant 0 : index
    %get3A_55 = vector.load %arg7[%get3A_54] : memref<2xf32, #tpu.memory_space<vmem>>, vector<2xf32>
    %broadcast_in_dim3A_56 = vector.shape_cast %get3A_55 : vector<2xf32> to vector<1x2xf32>
    %add3A_57 = vector.broadcast %broadcast_in_dim3A_56 : vector<1x2xf32> to vector<10000x2xf32>
    %add3A_58 = arith.addf %dot_general3A_53, %add3A_57 : vector<10000x2xf32>
    %max3A = arith.constant 0.000000e+00 : f32
    %max3A_59 = vector.broadcast %max3A : f32 to vector<10000x2xf32>
    %max3A_60 = arith.maximumf %add3A_58, %max3A_59 : vector<10000x2xf32>
    %reduce_max3A = arith.constant dense<0xFF800000> : vector<10000xf32>
    %reduce_max3A_61 = vector.multi_reduction <maximumf>, %max3A_60, %reduce_max3A [1] : vector<10000x2xf32> to vector<10000xf32>
    %broadcast_in_dim3A_62 = vector.shape_cast %reduce_max3A_61 : vector<10000xf32> to vector<10000x1xf32>
    %sub3A_63 = vector.broadcast %broadcast_in_dim3A_62 : vector<10000x1xf32> to vector<10000x2xf32>
    %sub3A_64 = arith.subf %max3A_60, %sub3A_63 : vector<10000x2xf32>
    %exp3A = math.exp %sub3A_64 : vector<10000x2xf32>
    %reduce_sum3A_65 = arith.constant dense<0.000000e+00> : vector<10000xf32>
    %reduce_sum3A_66 = vector.multi_reduction <add>, %exp3A, %reduce_sum3A_65 [1] : vector<10000x2xf32> to vector<10000xf32>
    %broadcast_in_dim3A_67 = vector.shape_cast %reduce_sum3A_66 : vector<10000xf32> to vector<10000x1xf32>
    %div3A_68 = vector.broadcast %broadcast_in_dim3A_67 : vector<10000x1xf32> to vector<10000x2xf32>
    %div3A_69 = arith.divf %exp3A, %div3A_68 : vector<10000x2xf32>
    %swap3A_70 = arith.constant 0 : index
    %swap3A_71 = arith.constant 0 : index
    %swap3A_72 = vector.load %arg8[%swap3A_70, %swap3A_71] : memref<10000x2xf32, #tpu.memory_space<vmem>>, vector<10000x2xf32>
    tpu.vector_store %arg8[%swap3A_70, %swap3A_71], %div3A_69 {strides = array<i32>} : memref<10000x2xf32, #tpu.memory_space<vmem>>, vector<10000x2xf32>,
    return
  }
}

</mosaic_0001>

<sc_bundles>
// kernel: kernel.6.cloned.1.call-start
scs
__scs_entry_jumppad:
0x0: {  	(pc) =	sbr.rel $0x88, $3  }
0x1: {  	(tag) =	ssettag $0x0;
	lr =	simm.s32 $0x1  }
0x2: {  	[smem:$0x3F99] =	sst lr;
	_ =	strace $0xD0000000  }
0x3: {  	_ = 	snop  }
0x4: {  	_ = 	snop  }
0x5: {  	_ = 	snop  }
0x6: {  	_ = 	snop  }
0x7: {  	_ = 	snop  }
__scs_overlays_trampoline_lowered:
0x8: {  	[smem:$0x3FA8] =	sst s0  }
0x9: {  	[smem:$0x3FA9] =	sst s1  }
0xa: {  	[smem:$0x3FAA] =	sst s2  }
0xb: {  	[smem:$0x3FAB] =	sst s3  }
0xc: {  	[smem:$0x3FAC] =	sst s4  }
0xd: {  	[smem:$0x3FAD] =	sst s5  }
0xe: {  	[smem:$0x3FAE] =	sst s6  }
0xf: {  	[smem:$0x3FAF] =	sst s7  }
0x10: {  	[smem:$0x3FB0] =	sst s8  }
0x11: {  	[smem:$0x3FB1] =	sst s9;
	s0 =	simm.s32 @!p0 $0x0  }
0x12: {  	s1 =	sld [smem:$0x3F97];
	s0 =	simm.s32 @p0 $0x1  }
0x13: {  	[smem:$0x3FB2] =	sst s0;
	s0 =	simm.s32 @!p1 $0x0  }
0x14: {  	s2 =	sld [smem:$0x3F96];
	s0 =	simm.s32 @p1 $0x1  }
0x15: {  	[smem:$0x3FB3] =	sst s0;
	s0 =	simm.s32 @!p2 $0x0  }
0x16: {  	s3 =	sld [smem:$0x3FDB];
	s0 =	simm.s32 @p2 $0x1  }
0x17: {  	s4 =	simm.s32 $0x1BF5;
	[smem:$0x3FB5] =	sst s0  }
0x18: {  	s0 =	sld [smem:$0x3F98];
	_ =	swait.ge [sflag:s4], $0x0  }
0x19: {  	s7 =	sld [smem:$0x3F99]  }
0x1a: {  	s8 =	sadd.s32 $0xFFFFE003, lr  }
0x1b: {  	s9 =	sadd.s32 $0xFFFFFEF7, lr;
	s5 =	simm.s32 $0xFFFFFFFF;
	p2 =	slt.u32 s8, $0xFFFFF086  }
0x1c: {  	p1 =	slt.u32 s9, $0xF7A;
	s5 =	simm.s32 @!p2 $0x0  }
0x1d: {  	s5 =	simm.s32 @p1 $0x1;
	p0 =	seq.s32 s7, s2  }
0x1e: {  	s7 =	smul.u32 @!p0 $0xF7A, s2;
	p2 =	seq.s32 @!p0 s5, $0x0  }
0x1f: {  	s9 =	smul.u32 $0xF7A, s1;
	s8 =	simm.s32 @!p0 $0x1BF5;
	p2 =	por !p2, p0  }
0x20: {  	[sflag:s8] =	ssyncset.s32 @!p0 $0xFFFFF086;
	s6 =	sadd.s32 @!p0 s3, s7;
	s7 =	simm.s32 @!p0 $0x108  }
0x21: {  	s3 =	sadd.s32 s3, s9;
	s6 =	sadd.s32 @!p0 $0x88, s6;
	s7 =	simm.s32 @p2 $0x1082  }
0x22: {  	[simem:s7], [sflag:s8] =	dma.local @!p0 [hbm:s6], $0xF7A  }
0x23: {  	s9 =	sor.u32 $0xD0000000, s2;
	s6 =	simm.s32 $0x108;
	_ =	swait.ge @!p0 [sflag:s8], $0x0  }
0x24: {  	s3 =	sadd.s32 $0x88, s3;
	s6 =	simm.s32 @!p1 $0x1082;
	[sflag:s4] =	ssyncset.s32 $0xFFFFF086  }
0x25: {  	[simem:s6], [sflag:s4] =	dma.local [hbm:s3], $0xF7A  }
0x26: {  	[smem:$0x3F99] =	sst s1;
	(tag) =	ssettag s2;
	_ =	strace s9  }
0x27: {  	s1 =	sld [smem:$0x3FA9]  }
0x28: {  	s2 =	sld [smem:$0x3FAA]  }
0x29: {  	s4 =	sld [smem:$0x3FAC]  }
0x2a: {  	p0 =	seq.s32 s5, $0x0;
	s5 =	sld [smem:$0x3FAD]  }
0x2b: {  	s6 =	sld [smem:$0x3FAE]  }
0x2c: {  	s7 =	sld [smem:$0x3FAF]  }
0x2d: {  	s3 =	simm.s32 $0x108;
	s8 =	sld [smem:$0x3FB0]  }
0x2e: {  	s3 =	simm.s32 @!p0 $0x1082;
	s9 =	sld [smem:$0x3FB1]  }
0x2f: {  	lr =	sadd.s32 s0, s3;
	s0 =	sld [smem:$0x3FA8]  }
0x30: {  	s3 =	sld [smem:$0x3FAB]  }
0x31: {  	[smem:$0x3FB4] =	sst s10  }
0x32: {  	s10 =	sld [smem:$0x3FB2];
	_ =	sdelay $0x3  }
0x33: {  	p0 =	seq.s32 s10, $0x1;
	s10 =	sld [smem:$0x3FB4];
	_ =	sdelay $0x3  }
0x34: {  	[smem:$0x3FB4] =	sst s10  }
0x35: {  	s10 =	sld [smem:$0x3FB3];
	_ =	sdelay $0x3  }
0x36: {  	p1 =	seq.s32 s10, $0x1;
	s10 =	sld [smem:$0x3FB4];
	_ =	sdelay $0x3  }
0x37: {  	[smem:$0x3FB4] =	sst s10  }
0x38: {  	s10 =	sld [smem:$0x3FB5]  }
0x39: {  	_ = 	snop;
	(pc) =	sbr.ind lr, $3  }
0x3a: {  	_ = 	snop  }
0x3b: {  	_ = 	snop  }
0x3c: {  	p2 =	seq.s32 s10, $0x1;
	s10 =	sld [smem:$0x3FB4]  }
0x3d: {  	_ =	shalt  }
0x3e: {  	_ =	shalt  }
0x3f: {  	_ =	shalt  }
0x40: {  	_ =	shalt  }
0x41: {  	_ =	shalt  }
0x42: {  	_ =	shalt  }
0x43: {  	_ =	shalt  }
0x44: {  	_ =	shalt  }
0x45: {  	_ =	shalt  }
0x46: {  	_ =	shalt  }
0x47: {  	_ =	shalt  }
0x48: {  	_ =	shalt  }
0x49: {  	_ =	shalt  }
0x4a: {  	_ =	shalt  }
0x4b: {  	_ =	shalt  }
0x4c: {  	_ =	shalt  }
0x4d: {  	_ =	shalt  }
0x4e: {  	_ =	shalt  }
0x4f: {  	_ =	shalt  }
0x50: {  	_ =	shalt  }
0x51: {  	_ =	shalt  }
0x52: {  	_ =	shalt  }
0x53: {  	_ =	shalt  }
0x54: {  	_ =	shalt  }
0x55: {  	_ =	shalt  }
0x56: {  	_ =	shalt  }
0x57: {  	_ =	shalt  }
0x58: {  	_ =	shalt  }
0x59: {  	_ =	shalt  }
0x5a: {  	_ =	shalt  }
0x5b: {  	_ =	shalt  }
0x5c: {  	_ =	shalt  }
0x5d: {  	_ =	shalt  }
0x5e: {  	_ =	shalt  }
0x5f: {  	_ =	shalt  }
0x60: {  	_ =	shalt  }
0x61: {  	_ =	shalt  }
0x62: {  	_ =	shalt  }
0x63: {  	_ =	shalt  }
0x64: {  	_ =	shalt  }
0x65: {  	_ =	shalt  }
0x66: {  	_ =	shalt  }
0x67: {  	_ =	shalt  }
0x68: {  	_ =	shalt  }
0x69: {  	_ =	shalt  }
0x6a: {  	_ =	shalt  }
0x6b: {  	_ =	shalt  }
0x6c: {  	_ =	shalt  }
0x6d: {  	_ =	shalt  }
0x6e: {  	_ =	shalt  }
0x6f: {  	_ =	shalt  }
0x70: {  	_ =	shalt  }
0x71: {  	_ =	shalt  }
0x72: {  	_ =	shalt  }
0x73: {  	_ =	shalt  }
0x74: {  	_ =	shalt  }
0x75: {  	_ =	shalt  }
0x76: {  	_ =	shalt  }
0x77: {  	_ =	shalt  }
0x78: {  	_ =	shalt  }
0x79: {  	_ =	shalt  }
0x7a: {  	_ =	shalt  }
0x7b: {  	_ =	shalt  }
0x7c: {  	_ =	shalt  }
0x7d: {  	_ =	shalt  }
0x7e: {  	_ =	shalt  }
0x7f: {  	_ =	shalt  }
0x80: {  	_ =	shalt  }
0x81: {  	_ =	shalt  }
0x82: {  	_ =	shalt  }
0x83: {  	_ =	shalt  }
0x84: {  	_ =	shalt  }
0x85: {  	_ =	shalt  }
0x86: {  	_ =	shalt  }
0x87: {  	_ =	shalt  }
.Lfunc_end0:
.L_simem_size_0:
called_computation_lowered:
.L_overlay_start_0:
0x88: {  	s2 =	sld [smem:$0x3FD9]  }
0x89: {  	s3 =	sld [smem:$0x3FFE];
	_ =	sdelay $0x1  }
0x8a: {  	s1 =	srdreg.scid  }
0x8b: {  	s0 =	sand.u32 $0x1, s1  }
0x8c: {  	s14 =	sshll.u32 s0, $0xA;
	s2 =	sadd.s32 s3, s2  }
0x8d: {  	s2 =	sadd.s32 s2, s14  }
0x8e: {  	[smem:$0x3FC0] =	sst s2  }
0x8f: {  	_ = 	snop  }
0x90: {  	s2 =	sld [smem:$0x3FD0];
	_ =	sdelay $0x2  }
0x91: {  	s15 =	simm.s32 $0xA;
	s4 =	simm.s32 $0x10  }
0x92: {  	[smem:s4], [sflag:s15] =	dma.local [hbm:s2], $0x1  }
0x93: {  	_ =	swait.eq [sflag:s15], $0x1  }
0x94: {  	[sflag:s15] =	ssyncset.done $0x0  }
0x95: {  	s16 =	sld [smem:$0x10];
	[sflag:s15] =	ssyncadd.s32 $0xFFFFFFFF  }
0x96: {  	s17 =	sld [smem:$0x11];
	(tm) =	ssettm $0x1  }
0x97: {  	s18 =	sld [smem:$0x3FFB];
	_ =	sdelay $0x3  }
0x98: {  	_ =	strace s18  }
0x99: {  	s4 =	sld [smem:$0x3FFC];
	_ =	sdelay $0x3  }
0x9a: {  	_ =	strace s4  }
0x9b: {  	s4 =	sld [smem:$0x3FFD];
	_ =	sdelay $0x3  }
0x9c: {  	_ =	strace s4  }
0x9d: {  	_ =	strace $0x8FFFFFFF  }
0x9e: {  	s19 =	sld [smem:$0x3FDB];
	_ =	sdelay $0x1  }
0x9f: {  	s5 =	simm.s32 $_scs_section_size  }
0xa0: {  	s6 =	simm.s32 $_size__tile_overlayer_lowered;
	s7 =	simm.s32 $_tile_overlayer_lowered  }
0xa1: {  	s22 =	simm.s32 $0x1BFF;
	s21 =	sshll.u32 s7, $0x1;
	s4 =	sadd.s32 s5, s19  }
0xa2: {  	s8 =	simm.s32 $0x0;
	s20 =	sshll.u32 s6, $0x1;
	s6 =	sadd.s32 s21, s4  }
0xa3: {  	[timem:s8], [sflag:s22] =	dma.local [hbm:s6], s20  }
0xa4: {  	_ =	swait.ge [sflag:s22], s20  }
0xa5: {  	s5 =	ssub.s32 $0x0, s20;
	[sflag:s22] =	ssyncset.done $0x0  }
0xa6: {  	[sflag:s22] =	ssyncadd.s32 s5;
	_ =	sdelay $0x1  }
0xa7: {  	s23 =	simm.s32 $0x1B8B  }
0xa8: {  	_ =	swait.ge [sflag:s23], $0x1  }
0xa9: {  	[sflag:s23] =	ssyncset.done $0x0  }
0xaa: {  	s25 =	simm.s32 $0x1B8E;
	s24 =	sld [smem:$0x3FFE];
	[sflag:s23] =	ssyncadd.s32 $0xFFFFFFFF  }
0xab: {  	s26 =	simm.s32 $execute0_lowered;
	[smem:$0x3FD2] =	sst s25  }
0xac: {  	s6 =	sshll.u32 s26, $0x1;
	_ =	strace $0x80000046;
	[dreg:$0x1] =	wrdreg $0xFFFFFFFF  }
0xad: {  	s28 =	simm.s32 $_size_execute0_lowered;
	s4 =	sadd.s32 s4, s6;
	[dreg:$0x0] =	wrdreg $0x0  }
0xae: {  	s6 =	sshll.u32 s28, $0x1;
	[dreg:$0x2] =	wrdreg s4  }
0xaf: {  	[dreg:$0x3] =	wrdreg s6  }
0xb0: {  	[dreg:$0x4] =	wrdreg $0xC0  }
0xb1: {  	_ =	task [dreg:s8], $0x5FFFF  }
0xb2: {  	[dreg:$0x1] =	wrdreg $0xFFFFFFFF  }
0xb3: {  	[dreg:$0x0] =	wrdreg $0x60  }
0xb4: {  	[dreg:$0x2] =	wrdreg s24  }
0xb5: {  	[dreg:$0x3] =	wrdreg s16  }
0xb6: {  	[dreg:$0x4] =	wrdreg s17  }
0xb7: {  	[dreg:$0x5] =	wrdreg $0x28000  }
0xb8: {  	[dreg:$0x6] =	wrdreg $0x9  }
0xb9: {  	_ =	task.clear_ibuf [dreg:s8], $0x7FFFF;
	_ =	strace $0x90000046  }
0xba: {  	s29 =	simm.s32 $0x9;
	_ =	strace $0x80000048  }
0xbb: {  	_ =	swait.ge [sflag:s29], $0x1  }
0xbc: {  	[sflag:s29] =	ssyncadd.s32 $0xFFFFFFFF  }
0xbd: {  	_ =	strace $0x90000048  }
0xbe: {  	_ =	sfence  }
0xbf: {  	s30 =	sld [smem:$0x0];
	_ =	sdelay $0x2  }
0xc0: {  	s31 =	sshll.u32 s1, $0xD;
	s1 =	sshrl.u32 s1, $0x2  }
0xc1: {  	s3 =	sand.u32 $0x4000, s31;
	s1 =	sadd.s32 s1, s30  }
0xc2: {  	s0 =	sor.u32 s3, s0;
	s1 =	sshll.u32 s1, $0x11  }
0xc3: {  	s0 =	sor.u32 s1, s0  }
0xc4: {  	s0 =	sadd.s32 $0x8F2B, s0  }
0xc5: {  	[sflag:s0] =	ssyncadd.remote.s32 $0x1  }
0xc6: {  	_ =	sfence.sel $0xFFFF  }
0xc7: {  	[dreg:$0x0] =	wrdreg $0xFFFFFFFF;
	(pc) =	sbr.abs _section_cstart, $3  }
0xc8: {  	[dreg:$0x1] =	wrdreg $0xFFFFFFFF  }
0xc9: {  	_ =	task.clear_ibuf [dreg:s8], $0x2FFFF;
	_ =	strace $0x9FFFFFFF  }
0xca: {  	(tm) =	ssettm $0x7FFFFFFF  }
0xcb: {  	_ =	shalt  }
tec
execute0_lowered:
.L_overlay_start_1:
0x0: {  	(tag) =	ssettag $0x1  }
0x1: {  	s5 =	rddreg [dreg:$0x0]  }
0x2: {  	s6 =	rddreg [dreg:$0x1]  }
0x3: {  	s1 =	rddreg [dreg:$0x2]  }
0x4: {  	s3 =	rddreg [dreg:$0x3]  }
0x5: {  	s0 =	rddreg [dreg:$0x4];
	s7 =	srdreg.scid  }
0x6: {  	s4 =	simm.s32 $0x0;
	s2 =	stileid.u32;
	s13 =	simm.s32 $0x40  }
0x7: {  	s14 =	simm.s32 $0x20;
	s15 =	simm.s32 $0x10;
	s16 =	simm.s32 $0x0  }
0x8: {  	s7 =	sand.u32 $0x1, s7;
	[smem:$0x7FF] =	sst s4;
	s9 =	smul.u32 $0x500, s2  }
0x9: {  	s11 =	smul.u32 $0x280, s2;
	s31 =	sshll.u32 s2, $0x6;
	s8 =	sshll.u32 s7, $0x4  }
0xa: {  	_ =	strace $0x80000047;
	s10 =	sshll.u32 s7, $0x7;
	s7 =	ssub.s32 $0x2, s7  }
0xb: {  	s8 =	sor.u32 s2, s8;
	s9 =	sor.u32 s10, s9;
	s29 =	sshrl.u32 s7, $0x1  }
0xc: {  	s12 =	sadd.s32 s11, s3;
	s30 =	sshrl.u32 s11, $0x3;
	s8 =	smul.u32 $0x4F0, s8  }
0xd: {  	s11 =	simm.s32 $0x1;
	s9 =	sshrl.u32 s9, $0x3;
	s10 =	ssub.s32 s7, s29  }
0xe: {  	s9 =	sadd.s32 s9, s5;
	s8 =	sadd.s32 s8, s5;
	s5 =	sadd.s32 s6, s30  }
0xf: {  	s6 =	sor.u32 $0x1C01, s31;
	s7 =	sadd.s32 $0x2200, s8;
	s8 =	sadd.s32 $0xC000, s9  }
0x10: {  	s9 =	smax.u32 s10, $0x1;
	s10 =	sshrl.u32 s12, $0x3;
	s12 =	simm.s32 $0x2780  }
.LBB2_1:
0x11: {  	[spmem:s10], [sflag:s6] =	dma.local [hbm:s5], $0x50  }
0x12: {  	_ =	swait.ge [sflag:s11], $0x50  }
0x13: {  	[sflag:s11] =	ssyncset.done $0x0  }
0x14: {  	[sflag:s11] =	ssyncadd.s32 $0xFFFFFFB0  }
0x15: {  	[tilespmem:s12], [sflag:$0x1] =	stream.linear.gather [hbm4b:s1+s4], $0x80, $0x38;
	[tilespmem:$0x2A80] =	vst v63  }
0x16: {  	_ =	swait.ge [sflag:s11], $0x80  }
0x17: {  	[sflag:s11] =	ssyncset.done $0x0  }
0x18: {  	[sflag:s11] =	ssyncadd.s32 $0xFFFFFF80  }
0x19: {  	[tilespmem:s4], [sflag:$0x1] =	stream.linear.gather [hbm4b:s7+s4], $0x2780, $0x38;
	[tilespmem:$0x2A80] =	vst v63  }
0x1a: {  	_ =	swait.ge [sflag:s11], $0x2780  }
0x1b: {  	[sflag:s11] =	ssyncset.done $0x0  }
0x1c: {  	[sflag:s11] =	ssyncadd.s32 $0xFFFFD880  }
0x1d: {  	s17 =	simm.s32 $0x0;
	[bflag:$0x0] =	sbarrier.arrive $0xFFFF  }
0x1e: {  	[spmem:s3] =	stream.indirect.scatter.add.f32 [tilespmem:s12], [sflag:$0x1], $0x1, s17, s13, $0xb8;
	[tilespmem:$0x2A80] =	vst v63  }
0x1f: {  	_ =	swait.ge [sflag:s11], $0x40  }
0x20: {  	s17 =	simm.s32 $0x100;
	[sflag:s11] =	ssyncset.done $0x0  }
.LBB2_2:
0x21: {  	s18 =	sshra.s32 s17, $0x2;
	[sflag:s11] =	ssyncadd.s32 $0xFFFFFFC0;
	p0 =	sne.s32 s17, $0x9D00  }
0x22: {  	[spmem:s3] =	stream.indirect.scatter.add.f32 [tilespmem:s12], [sflag:$0x1], $0x1, s18, s13, $0xb8;
	[tilespmem:$0x2A80] =	vst v63  }
.Ltmp0:
0x23: {  	_ = 	snop;
	(pc) =	sbr.rel @p0 .LBB2_2-.Ltmp0, $4  }
0x24: {  	_ = 	snop  }
0x25: {  	s17 =	sadd.s32 $0x100, s17  }
0x26: {  	_ =	swait.ge [sflag:s11], $0x40  }
0x27: {  	[sflag:s11] =	ssyncset.done $0x0  }
0x28: {  	s16 =	sadd.s32 $0x1, s16  }
0x29: {  	[sflag:s11] =	ssyncadd.s32 $0xFFFFFFC0;
	p0 =	sne.s32 s16, s9  }
.Ltmp1:
0x2a: {  	[bflag:$0x0] =	sbarrier.arrive $0xFFFF;
	(pc) =	sbr.rel @p0 .LBB2_1-.Ltmp1, $4  }
0x2b: {  	[hbm:s8@s14], [sflag:s6] =	dma.strided [spmem:s10@s15], $0x50, s11, $0x10   }
0x2c: {  	_ =	swait.ge [sflag:s11], $0x50  }
0x2d: {  	[sflag:s11] =	ssyncset.done $0x0  }
0x2e: {  	[sflag:s11] =	ssyncadd.s32 $0xFFFFFFB0  }
0x2f: {  	_ =	sfence.sel $0x180000  }
0x30: {  	[bflag:$0x0] =	sbarrier.arrive $0xFFFF  }
0x31: {  	p0 =	sne.s32 s2, $0x0;
	_ =	strace $0x90000047  }
0x32: {  	s0 =	sadd.s32 @!p0 $0x100000, s0;
	[bflag:$0x2] =	sbarrier.arrive $0xFFFF  }
0x33: {  	[sflag:s0] =	ssyncadd.tile.s32 @!p0 $0x1;
	_ =	shalt  }
.Lfunc_end2:
_tile_overlayer_lowered:
.L_overlay_start_2:
0x34: {  	(tag) =	ssettag $0x2  }
0x35: {  	s0 =	rddreg [dreg:$0x0];
	s2 =	stileid.u32  }
0x36: {  	s1 =	rddreg [dreg:$0x1];
	p0 =	sne.s32 s2, $0x0  }
0x37: {  	s3 =	rddreg [dreg:$0x2];
	[bflag:$0x3] =	sbarrier.arrive $0xFFFF;
	s2 =	simm.s32 @!p0 $0x1C01  }
0x38: {  	[timem:s3], [sflag:s2] =	dma.local @!p0 [hbm:s0], s1  }
0x39: {  	s0 =	simm.s32 @!p0 $0x1  }
0x3a: {  	_ =	swait.ge @!p0 [sflag:s0], s1  }
0x3b: {  	s1 =	ssub.s32 @!p0 $0x0, s1;
	[sflag:s0] =	ssyncset.done @!p0 $0x0  }
0x3c: {  	[sflag:s0] =	ssyncadd.s32 @!p0 s1  }
0x3d: {  	[bflag:$0x3] =	sbarrier.arrive $0xFFFF  }
0x3e: {  	_ =	shalt  }

// kernel: kernel.9.cloned.1.call-start
scs
__scs_entry_jumppad:
0x0: {  	(pc) =	sbr.rel $0x88, $3  }
0x1: {  	(tag) =	ssettag $0x0;
	lr =	simm.s32 $0x1  }
0x2: {  	[smem:$0x3F99] =	sst lr;
	_ =	strace $0xD0000000  }
0x3: {  	_ = 	snop  }
0x4: {  	_ = 	snop  }
0x5: {  	_ = 	snop  }
0x6: {  	_ = 	snop  }
0x7: {  	_ = 	snop  }
__scs_overlays_trampoline_lowered:
0x8: {  	[smem:$0x3FA8] =	sst s0  }
0x9: {  	[smem:$0x3FA9] =	sst s1  }
0xa: {  	[smem:$0x3FAA] =	sst s2  }
0xb: {  	[smem:$0x3FAB] =	sst s3  }
0xc: {  	[smem:$0x3FAC] =	sst s4  }
0xd: {  	[smem:$0x3FAD] =	sst s5  }
0xe: {  	[smem:$0x3FAE] =	sst s6  }
0xf: {  	[smem:$0x3FAF] =	sst s7  }
0x10: {  	[smem:$0x3FB0] =	sst s8  }
0x11: {  	[smem:$0x3FB1] =	sst s9;
	s0 =	simm.s32 @!p0 $0x0  }
0x12: {  	s1 =	sld [smem:$0x3F97];
	s0 =	simm.s32 @p0 $0x1  }
0x13: {  	[smem:$0x3FB2] =	sst s0;
	s0 =	simm.s32 @!p1 $0x0  }
0x14: {  	s2 =	sld [smem:$0x3F96];
	s0 =	simm.s32 @p1 $0x1  }
0x15: {  	[smem:$0x3FB3] =	sst s0;
	s0 =	simm.s32 @!p2 $0x0  }
0x16: {  	s3 =	sld [smem:$0x3FDB];
	s0 =	simm.s32 @p2 $0x1  }
0x17: {  	s4 =	simm.s32 $0x1BF5;
	[smem:$0x3FB5] =	sst s0  }
0x18: {  	s0 =	sld [smem:$0x3F98];
	_ =	swait.ge [sflag:s4], $0x0  }
0x19: {  	s7 =	sld [smem:$0x3F99]  }
0x1a: {  	s8 =	sadd.s32 $0xFFFFE003, lr  }
0x1b: {  	s9 =	sadd.s32 $0xFFFFFEF7, lr;
	s5 =	simm.s32 $0xFFFFFFFF;
	p2 =	slt.u32 s8, $0xFFFFF086  }
0x1c: {  	p1 =	slt.u32 s9, $0xF7A;
	s5 =	simm.s32 @!p2 $0x0  }
0x1d: {  	s5 =	simm.s32 @p1 $0x1;
	p0 =	seq.s32 s7, s2  }
0x1e: {  	s7 =	smul.u32 @!p0 $0xF7A, s2;
	p2 =	seq.s32 @!p0 s5, $0x0  }
0x1f: {  	s9 =	smul.u32 $0xF7A, s1;
	s8 =	simm.s32 @!p0 $0x1BF5;
	p2 =	por !p2, p0  }
0x20: {  	[sflag:s8] =	ssyncset.s32 @!p0 $0xFFFFF086;
	s6 =	sadd.s32 @!p0 s3, s7;
	s7 =	simm.s32 @!p0 $0x108  }
0x21: {  	s3 =	sadd.s32 s3, s9;
	s6 =	sadd.s32 @!p0 $0x88, s6;
	s7 =	simm.s32 @p2 $0x1082  }
0x22: {  	[simem:s7], [sflag:s8] =	dma.local @!p0 [hbm:s6], $0xF7A  }
0x23: {  	s9 =	sor.u32 $0xD0000000, s2;
	s6 =	simm.s32 $0x108;
	_ =	swait.ge @!p0 [sflag:s8], $0x0  }
0x24: {  	s3 =	sadd.s32 $0x88, s3;
	s6 =	simm.s32 @!p1 $0x1082;
	[sflag:s4] =	ssyncset.s32 $0xFFFFF086  }
0x25: {  	[simem:s6], [sflag:s4] =	dma.local [hbm:s3], $0xF7A  }
0x26: {  	[smem:$0x3F99] =	sst s1;
	(tag) =	ssettag s2;
	_ =	strace s9  }
0x27: {  	s1 =	sld [smem:$0x3FA9]  }
0x28: {  	s2 =	sld [smem:$0x3FAA]  }
0x29: {  	s4 =	sld [smem:$0x3FAC]  }
0x2a: {  	p0 =	seq.s32 s5, $0x0;
	s5 =	sld [smem:$0x3FAD]  }
0x2b: {  	s6 =	sld [smem:$0x3FAE]  }
0x2c: {  	s7 =	sld [smem:$0x3FAF]  }
0x2d: {  	s3 =	simm.s32 $0x108;
	s8 =	sld [smem:$0x3FB0]  }
0x2e: {  	s3 =	simm.s32 @!p0 $0x1082;
	s9 =	sld [smem:$0x3FB1]  }
0x2f: {  	lr =	sadd.s32 s0, s3;
	s0 =	sld [smem:$0x3FA8]  }
0x30: {  	s3 =	sld [smem:$0x3FAB]  }
0x31: {  	[smem:$0x3FB4] =	sst s10  }
0x32: {  	s10 =	sld [smem:$0x3FB2];
	_ =	sdelay $0x3  }
0x33: {  	p0 =	seq.s32 s10, $0x1;
	s10 =	sld [smem:$0x3FB4];
	_ =	sdelay $0x3  }
0x34: {  	[smem:$0x3FB4] =	sst s10  }
0x35: {  	s10 =	sld [smem:$0x3FB3];
	_ =	sdelay $0x3  }
0x36: {  	p1 =	seq.s32 s10, $0x1;
	s10 =	sld [smem:$0x3FB4];
	_ =	sdelay $0x3  }
0x37: {  	[smem:$0x3FB4] =	sst s10  }
0x38: {  	s10 =	sld [smem:$0x3FB5]  }
0x39: {  	_ = 	snop;
	(pc) =	sbr.ind lr, $3  }
0x3a: {  	_ = 	snop  }
0x3b: {  	_ = 	snop  }
0x3c: {  	p2 =	seq.s32 s10, $0x1;
	s10 =	sld [smem:$0x3FB4]  }
0x3d: {  	_ =	shalt  }
0x3e: {  	_ =	shalt  }
0x3f: {  	_ =	shalt  }
0x40: {  	_ =	shalt  }
0x41: {  	_ =	shalt  }
0x42: {  	_ =	shalt  }
0x43: {  	_ =	shalt  }
0x44: {  	_ =	shalt  }
0x45: {  	_ =	shalt  }
0x46: {  	_ =	shalt  }
0x47: {  	_ =	shalt  }
0x48: {  	_ =	shalt  }
0x49: {  	_ =	shalt  }
0x4a: {  	_ =	shalt  }
0x4b: {  	_ =	shalt  }
0x4c: {  	_ =	shalt  }
0x4d: {  	_ =	shalt  }
0x4e: {  	_ =	shalt  }
0x4f: {  	_ =	shalt  }
0x50: {  	_ =	shalt  }
0x51: {  	_ =	shalt  }
0x52: {  	_ =	shalt  }
0x53: {  	_ =	shalt  }
0x54: {  	_ =	shalt  }
0x55: {  	_ =	shalt  }
0x56: {  	_ =	shalt  }
0x57: {  	_ =	shalt  }
0x58: {  	_ =	shalt  }
0x59: {  	_ =	shalt  }
0x5a: {  	_ =	shalt  }
0x5b: {  	_ =	shalt  }
0x5c: {  	_ =	shalt  }
0x5d: {  	_ =	shalt  }
0x5e: {  	_ =	shalt  }
0x5f: {  	_ =	shalt  }
0x60: {  	_ =	shalt  }
0x61: {  	_ =	shalt  }
0x62: {  	_ =	shalt  }
0x63: {  	_ =	shalt  }
0x64: {  	_ =	shalt  }
0x65: {  	_ =	shalt  }
0x66: {  	_ =	shalt  }
0x67: {  	_ =	shalt  }
0x68: {  	_ =	shalt  }
0x69: {  	_ =	shalt  }
0x6a: {  	_ =	shalt  }
0x6b: {  	_ =	shalt  }
0x6c: {  	_ =	shalt  }
0x6d: {  	_ =	shalt  }
0x6e: {  	_ =	shalt  }
0x6f: {  	_ =	shalt  }
0x70: {  	_ =	shalt  }
0x71: {  	_ =	shalt  }
0x72: {  	_ =	shalt  }
0x73: {  	_ =	shalt  }
0x74: {  	_ =	shalt  }
0x75: {  	_ =	shalt  }
0x76: {  	_ =	shalt  }
0x77: {  	_ =	shalt  }
0x78: {  	_ =	shalt  }
0x79: {  	_ =	shalt  }
0x7a: {  	_ =	shalt  }
0x7b: {  	_ =	shalt  }
0x7c: {  	_ =	shalt  }
0x7d: {  	_ =	shalt  }
0x7e: {  	_ =	shalt  }
0x7f: {  	_ =	shalt  }
0x80: {  	_ =	shalt  }
0x81: {  	_ =	shalt  }
0x82: {  	_ =	shalt  }
0x83: {  	_ =	shalt  }
0x84: {  	_ =	shalt  }
0x85: {  	_ =	shalt  }
0x86: {  	_ =	shalt  }
0x87: {  	_ =	shalt  }
.Lfunc_end0:
.L_simem_size_0:
called_computation.1_lowered:
.L_overlay_start_0:
0x88: {  	s2 =	sld [smem:$0x3FD9]  }
0x89: {  	s3 =	sld [smem:$0x3FFE];
	_ =	sdelay $0x1  }
0x8a: {  	s1 =	srdreg.scid  }
0x8b: {  	s0 =	sand.u32 $0x1, s1  }
0x8c: {  	s14 =	sshll.u32 s0, $0xA;
	s2 =	sadd.s32 s3, s2  }
0x8d: {  	s2 =	sadd.s32 s2, s14  }
0x8e: {  	[smem:$0x3FC0] =	sst s2  }
0x8f: {  	_ = 	snop  }
0x90: {  	s2 =	sld [smem:$0x3FD0];
	_ =	sdelay $0x2  }
0x91: {  	s15 =	simm.s32 $0xA;
	s4 =	simm.s32 $0x10  }
0x92: {  	[smem:s4], [sflag:s15] =	dma.local [hbm:s2], $0x1  }
0x93: {  	_ =	swait.eq [sflag:s15], $0x1  }
0x94: {  	[sflag:s15] =	ssyncset.done $0x0  }
0x95: {  	[sflag:s15] =	ssyncadd.s32 $0xFFFFFFFF  }
0x96: {  	s16 =	sld [smem:$0x10];
	(tm) =	ssettm $0x1  }
0x97: {  	s17 =	sld [smem:$0x3FFB];
	_ =	sdelay $0x3  }
0x98: {  	_ =	strace s17  }
0x99: {  	s3 =	sld [smem:$0x3FFC];
	_ =	sdelay $0x3  }
0x9a: {  	_ =	strace s3  }
0x9b: {  	s3 =	sld [smem:$0x3FFD];
	_ =	sdelay $0x3  }
0x9c: {  	_ =	strace s3  }
0x9d: {  	_ =	strace $0x8FFFFFFF  }
0x9e: {  	s18 =	sld [smem:$0x3FDB];
	_ =	sdelay $0x1  }
0x9f: {  	s19 =	simm.s32 $_scs_section_size  }
0xa0: {  	s5 =	simm.s32 $_size__tile_overlayer_lowered;
	s6 =	simm.s32 $_tile_overlayer_lowered  }
0xa1: {  	s22 =	simm.s32 $0x1BFF;
	s21 =	sshll.u32 s6, $0x1;
	s3 =	sadd.s32 s19, s18  }
0xa2: {  	s7 =	simm.s32 $0x0;
	s20 =	sshll.u32 s5, $0x1;
	s5 =	sadd.s32 s21, s3  }
0xa3: {  	[timem:s7], [sflag:s22] =	dma.local [hbm:s5], s20  }
0xa4: {  	_ =	swait.ge [sflag:s22], s20  }
0xa5: {  	s4 =	ssub.s32 $0x0, s20;
	[sflag:s22] =	ssyncset.done $0x0  }
0xa6: {  	[sflag:s22] =	ssyncadd.s32 s4;
	_ =	sdelay $0x1  }
0xa7: {  	s23 =	simm.s32 $0x1B8B  }
0xa8: {  	_ =	swait.ge [sflag:s23], $0x1  }
0xa9: {  	[sflag:s23] =	ssyncset.done $0x0  }
0xaa: {  	s25 =	simm.s32 $0x1B8E;
	s24 =	sld [smem:$0x3FFE];
	[sflag:s23] =	ssyncadd.s32 $0xFFFFFFFF  }
0xab: {  	s26 =	simm.s32 $execute0_lowered;
	[smem:$0x3FD2] =	sst s25  }
0xac: {  	s5 =	sshll.u32 s26, $0x1;
	_ =	strace $0x80000049;
	[dreg:$0x1] =	wrdreg $0xFFFFFFFF  }
0xad: {  	s28 =	simm.s32 $_size_execute0_lowered;
	s3 =	sadd.s32 s3, s5;
	[dreg:$0x0] =	wrdreg $0x0  }
0xae: {  	s5 =	sshll.u32 s28, $0x1;
	[dreg:$0x2] =	wrdreg s3  }
0xaf: {  	[dreg:$0x3] =	wrdreg s5  }
0xb0: {  	[dreg:$0x4] =	wrdreg $0xC0  }
0xb1: {  	_ =	task [dreg:s7], $0x5FFFF  }
0xb2: {  	[dreg:$0x1] =	wrdreg $0xFFFFFFFF  }
0xb3: {  	[dreg:$0x0] =	wrdreg $0x60  }
0xb4: {  	[dreg:$0x2] =	wrdreg s24  }
0xb5: {  	[dreg:$0x3] =	wrdreg s16  }
0xb6: {  	[dreg:$0x4] =	wrdreg $0x8F000  }
0xb7: {  	[dreg:$0x5] =	wrdreg $0x9  }
0xb8: {  	_ =	task.clear_ibuf [dreg:s7], $0x6FFFF;
	_ =	strace $0x90000049  }
0xb9: {  	s29 =	simm.s32 $0x9;
	_ =	strace $0x8000004B  }
0xba: {  	_ =	swait.ge [sflag:s29], $0x1  }
0xbb: {  	[sflag:s29] =	ssyncadd.s32 $0xFFFFFFFF  }
0xbc: {  	_ =	strace $0x9000004B  }
0xbd: {  	_ =	sfence  }
0xbe: {  	s30 =	sld [smem:$0x0];
	_ =	sdelay $0x2  }
0xbf: {  	s31 =	sshll.u32 s1, $0xD;
	s1 =	sshrl.u32 s1, $0x2  }
0xc0: {  	s3 =	sand.u32 $0x4000, s31;
	s1 =	sadd.s32 s1, s30  }
0xc1: {  	s0 =	sor.u32 s3, s0;
	s1 =	sshll.u32 s1, $0x11  }
0xc2: {  	s0 =	sor.u32 s1, s0  }
0xc3: {  	s0 =	sadd.s32 $0x8F2B, s0  }
0xc4: {  	[sflag:s0] =	ssyncadd.remote.s32 $0x1  }
0xc5: {  	_ =	sfence.sel $0xFFFF  }
0xc6: {  	[dreg:$0x0] =	wrdreg $0xFFFFFFFF;
	(pc) =	sbr.abs _section_cstart, $3  }
0xc7: {  	[dreg:$0x1] =	wrdreg $0xFFFFFFFF  }
0xc8: {  	_ =	task.clear_ibuf [dreg:s7], $0x2FFFF;
	_ =	strace $0x9FFFFFFF  }
0xc9: {  	(tm) =	ssettm $0x7FFFFFFF  }
tec
execute0_lowered:
.L_overlay_start_1:
0x0: {  	(tag) =	ssettag $0x1  }
0x1: {  	s0 =	srdreg.scid  }
0x2: {  	s6 =	rddreg [dreg:$0x0];
	s23 =	stileid.u32  }
0x3: {  	s20 =	simm.s32 $0x4F00;
	s21 =	simm.s32 $0x3;
	s22 =	simm.s32 $0x2780  }
0x4: {  	s28 =	simm.s32 $0x2740;
	s29 =	simm.s32 $0x4E80;
	s30 =	simm.s32 $0x4EC0  }
0x5: {  	s31 =	simm.s32 $0x0;
	s1 =	sand.u32 $0x1, s0;
	s9 =	smul.u32 $0x14000, s23  }
0x6: {  	s5 =	sadd.s32 $0x16800, s6;
	s10 =	smul.u32 $0x50000, s23;
	s3 =	sshll.u32 s1, $0x4  }
0x7: {  	s8 =	smul.u32 $0x140000, s1;
	s1 =	ssub.s32 $0x2, s1;
	s4 =	sor.u32 s23, s3  }
0x8: {  	s3 =	rddreg [dreg:$0x2];
	s25 =	sshrl.u32 s1, $0x1;
	s26 =	sshrl.u32 s10, $0x2  }
0x9: {  	s23 =	simm.s32 $0x40;
	s7 =	smul.u32 $0x4F0, s4;
	s4 =	simm.s32 $0x0  }
0xa: {  	s24 =	sadd.s32 s9, s8;
	s1 =	ssub.s32 s1, s25;
	[smem:$0x7FF] =	sst s4  }
0xb: {  	s25 =	simm.s32 $0x6F00;
	s19 =	smax.u32 s1, $0x1;
	_ =	strace $0x8000004A  }
0xc: {  	s17 =	sadd.s32 s7, s6;
	s7 =	sshrl.u32 s24, $0x3;
	s24 =	simm.s32 $0x1  }
0xd: {  	s18 =	sadd.s32 s7, s6;
	s6 =	sadd.s32 s26, s3;
	s16 =	sadd.s32 $0xCA00, s17  }
0xe: {  	s17 =	sadd.s32 $0x2200, s17;
	s26 =	simm.s32 $0x2;
	s7 =	sadd.s32 $0x2000, s6  }
0xf: {  	s8 =	sadd.s32 $0x4000, s6;
	s9 =	sadd.s32 $0x6000, s6;
	s10 =	sadd.s32 $0x8000, s6  }
0x10: {  	s11 =	sadd.s32 $0xA000, s6;
	s12 =	sadd.s32 $0xC000, s6;
	s13 =	sadd.s32 $0xE000, s6  }
0x11: {  	s14 =	sadd.s32 $0x10000, s6;
	s15 =	sadd.s32 $0x12000, s6;
	s18 =	sadd.s32 $0x3E800, s18  }
.LBB2_1:
0x12: {  	s0 =	rddreg [dreg:$0x1]  }
0x13: {  	[tilespmem:s20], [sflag:$0x3] =	stream.linear.gather [hbm4b:s0+s4], $0x2000, $0x38;
	[tilespmem:$0x1CF00] =	vst v63  }
0x14: {  	_ =	swait.ge [sflag:s21], $0x2000  }
0x15: {  	[sflag:s21] =	ssyncset.done $0x0  }
0x16: {  	[sflag:s21] =	ssyncadd.s32 $0xFFFFE000  }
0x17: {  	[spmem:s6] =	stream.linear.scatter [tilespmem:s20], [sflag:$0x3], $0x2000, $0x38;
	[tilespmem:$0x1CF00] =	vst v63  }
0x18: {  	_ =	swait.ge [sflag:s21], $0x2000  }
0x19: {  	[sflag:s21] =	ssyncset.done $0x0  }
0x1a: {  	[sflag:s21] =	ssyncadd.s32 $0xFFFFE000  }
0x1b: {  	[spmem:s7] =	stream.linear.scatter [tilespmem:s20], [sflag:$0x3], $0x2000, $0x38;
	[tilespmem:$0x1CF00] =	vst v63  }
0x1c: {  	_ =	swait.ge [sflag:s21], $0x2000  }
0x1d: {  	[sflag:s21] =	ssyncset.done $0x0  }
0x1e: {  	[sflag:s21] =	ssyncadd.s32 $0xFFFFE000  }
0x1f: {  	[spmem:s8] =	stream.linear.scatter [tilespmem:s20], [sflag:$0x3], $0x2000, $0x38;
	[tilespmem:$0x1CF00] =	vst v63  }
0x20: {  	_ =	swait.ge [sflag:s21], $0x2000  }
0x21: {  	[sflag:s21] =	ssyncset.done $0x0  }
0x22: {  	[sflag:s21] =	ssyncadd.s32 $0xFFFFE000  }
0x23: {  	[spmem:s9] =	stream.linear.scatter [tilespmem:s20], [sflag:$0x3], $0x2000, $0x38;
	[tilespmem:$0x1CF00] =	vst v63  }
0x24: {  	_ =	swait.ge [sflag:s21], $0x2000  }
0x25: {  	[sflag:s21] =	ssyncset.done $0x0  }
0x26: {  	[sflag:s21] =	ssyncadd.s32 $0xFFFFE000  }
0x27: {  	[spmem:s10] =	stream.linear.scatter [tilespmem:s20], [sflag:$0x3], $0x2000, $0x38;
	[tilespmem:$0x1CF00] =	vst v63  }
0x28: {  	_ =	swait.ge [sflag:s21], $0x2000  }
0x29: {  	[sflag:s21] =	ssyncset.done $0x0  }
0x2a: {  	[sflag:s21] =	ssyncadd.s32 $0xFFFFE000  }
0x2b: {  	[spmem:s11] =	stream.linear.scatter [tilespmem:s20], [sflag:$0x3], $0x2000, $0x38;
	[tilespmem:$0x1CF00] =	vst v63  }
0x2c: {  	_ =	swait.ge [sflag:s21], $0x2000  }
0x2d: {  	[sflag:s21] =	ssyncset.done $0x0  }
0x2e: {  	[sflag:s21] =	ssyncadd.s32 $0xFFFFE000  }
0x2f: {  	[spmem:s12] =	stream.linear.scatter [tilespmem:s20], [sflag:$0x3], $0x2000, $0x38;
	[tilespmem:$0x1CF00] =	vst v63  }
0x30: {  	_ =	swait.ge [sflag:s21], $0x2000  }
0x31: {  	[sflag:s21] =	ssyncset.done $0x0  }
0x32: {  	[sflag:s21] =	ssyncadd.s32 $0xFFFFE000  }
0x33: {  	[spmem:s13] =	stream.linear.scatter [tilespmem:s20], [sflag:$0x3], $0x2000, $0x38;
	[tilespmem:$0x1CF00] =	vst v63  }
0x34: {  	_ =	swait.ge [sflag:s21], $0x2000  }
0x35: {  	[sflag:s21] =	ssyncset.done $0x0  }
0x36: {  	[sflag:s21] =	ssyncadd.s32 $0xFFFFE000  }
0x37: {  	[spmem:s14] =	stream.linear.scatter [tilespmem:s20], [sflag:$0x3], $0x2000, $0x38;
	[tilespmem:$0x1CF00] =	vst v63  }
0x38: {  	_ =	swait.ge [sflag:s21], $0x2000  }
0x39: {  	[sflag:s21] =	ssyncset.done $0x0  }
0x3a: {  	[sflag:s21] =	ssyncadd.s32 $0xFFFFE000  }
0x3b: {  	[spmem:s15] =	stream.linear.scatter [tilespmem:s20], [sflag:$0x3], $0x2000, $0x38;
	[tilespmem:$0x1CF00] =	vst v63  }
0x3c: {  	_ =	swait.ge [sflag:s21], $0x2000  }
0x3d: {  	[sflag:s21] =	ssyncset.done $0x0  }
0x3e: {  	[sflag:s21] =	ssyncadd.s32 $0xFFFFE000  }
0x3f: {  	[bflag:$0x0] =	sbarrier.arrive $0xFFFF  }
0x40: {  	[tilespmem:s4], [sflag:$0x3] =	stream.linear.gather [hbm4b:s16+s4], $0x2780, $0x38;
	[tilespmem:$0x1CF00] =	vst v63  }
0x41: {  	_ =	swait.ge [sflag:s21], $0x2780  }
0x42: {  	[sflag:s21] =	ssyncset.done $0x0  }
0x43: {  	[sflag:s21] =	ssyncadd.s32 $0xFFFFD880  }
0x44: {  	[tilespmem:s22], [sflag:$0x3] =	stream.linear.gather [hbm4b:s17+s4], $0x2780, $0x38;
	[tilespmem:$0x1CF00] =	vst v63  }
0x45: {  	_ =	swait.ge [sflag:s21], $0x2780  }
0x46: {  	[sflag:s21] =	ssyncset.done $0x0  }
0x47: {  	[sflag:s21] =	ssyncadd.s32 $0xFFFFD880  }
0x48: {  	[tilespmem:s20], [sflag:$0x1] =	stream.indirect.gather [hbm4b:s5+s23], $0x80, s4, s23, $0xb8;
	[tilespmem:$0x1CF00] =	vst v63  }
0x49: {  	_ =	swait.ge [sflag:s24], $0x2000  }
0x4a: {  	[sflag:s24] =	ssyncset.done $0x0  }
0x4b: {  	s1 =	simm.s32 $0x40;
	[sflag:s24] =	ssyncadd.s32 $0xFFFFE000  }
0x4c: {  	[tilespmem:s25], [sflag:$0x2] =	stream.indirect.gather [hbm4b:s5+s23], $0x80, s1, s23, $0xb8;
	[tilespmem:$0x1CF00] =	vst v63  }
0x4d: {  	s2 =	simm.s32 $0x2780  }
0x4e: {  	[spmem:s3] =	stream.indirect.scatter.add.f32 [tilespmem:s20], [sflag:$0x3], $0x80, s2, s23, $0xb8;
	[tilespmem:$0x1CF00] =	vst v63  }
0x4f: {  	_ =	swait.ge [sflag:s21], $0x2000  }
0x50: {  	[sflag:s21] =	ssyncset.done $0x0  }
0x51: {  	[sflag:s21] =	ssyncadd.s32 $0xFFFFE000  }
0x52: {  	_ =	swait.ge [sflag:s26], $0x2000  }
0x53: {  	[sflag:s26] =	ssyncset.done $0x0  }
0x54: {  	s0 =	simm.s32 $0x80;
	[sflag:s26] =	ssyncadd.s32 $0xFFFFE000  }
0x55: {  	[tilespmem:s20], [sflag:$0x1] =	stream.indirect.gather [hbm4b:s5+s23], $0x80, s0, s23, $0xb8;
	[tilespmem:$0x1CF00] =	vst v63  }
0x56: {  	s2 =	simm.s32 $0x27C0  }
0x57: {  	[spmem:s3] =	stream.indirect.scatter.add.f32 [tilespmem:s25], [sflag:$0x3], $0x80, s2, s23, $0xb8;
	[tilespmem:$0x1CF00] =	vst v63  }
0x58: {  	_ =	swait.ge [sflag:s21], $0x2000  }
0x59: {  	s1 =	simm.s32 $0x200;
	[sflag:s21] =	ssyncset.done $0x0  }
.LBB2_2:
0x5a: {  	p0 =	sne.s32 s1, $0x9A00  }
0x5b: {  	[sflag:s21] =	ssyncadd.s32 $0xFFFFE000;
	s2 =	smov.u32 s1;
	s1 =	sadd.s32 $0x200, s1  }
0x5c: {  	_ = 	snop  }
0x5d: {  	_ =	swait.ge [sflag:s24], $0x2000  }
0x5e: {  	s2 =	sshra.s32 s2, $0x2;
	[sflag:s24] =	ssyncset.done $0x0  }
0x5f: {  	s0 =	sadd.s32 $0x40, s2;
	[sflag:s24] =	ssyncadd.s32 $0xFFFFE000  }
0x60: {  	[tilespmem:s25], [sflag:$0x2] =	stream.indirect.gather [hbm4b:s5+s23], $0x80, s0, s23, $0xb8;
	[tilespmem:$0x1CF00] =	vst v63  }
0x61: {  	s0 =	sadd.s32 $0x2780, s2  }
0x62: {  	[spmem:s3] =	stream.indirect.scatter.add.f32 [tilespmem:s20], [sflag:$0x3], $0x80, s0, s23, $0xb8;
	[tilespmem:$0x1CF00] =	vst v63  }
0x63: {  	_ =	swait.ge [sflag:s21], $0x2000  }
0x64: {  	[sflag:s21] =	ssyncset.done $0x0  }
0x65: {  	[sflag:s21] =	ssyncadd.s32 $0xFFFFE000  }
0x66: {  	_ =	swait.ge [sflag:s26], $0x2000  }
0x67: {  	[sflag:s26] =	ssyncset.done $0x0  }
0x68: {  	s0 =	sadd.s32 $0x80, s2;
	[sflag:s26] =	ssyncadd.s32 $0xFFFFE000  }
0x69: {  	[tilespmem:s20], [sflag:$0x1] =	stream.indirect.gather [hbm4b:s5+s23], $0x80, s0, s23, $0xb8;
	[tilespmem:$0x1CF00] =	vst v63  }
.Ltmp0:
0x6a: {  	_ = 	snop;
	(pc) =	sbr.rel @p0 .LBB2_2-.Ltmp0, $4  }
0x6b: {  	s0 =	sadd.s32 $0x27C0, s2  }
0x6c: {  	[spmem:s3] =	stream.indirect.scatter.add.f32 [tilespmem:s25], [sflag:$0x3], $0x80, s0, s23, $0xb8;
	[tilespmem:$0x1CF00] =	vst v63  }
0x6d: {  	_ =	swait.ge [sflag:s21], $0x2000  }
0x6e: {  	[sflag:s21] =	ssyncset.done $0x0  }
0x6f: {  	[sflag:s21] =	ssyncadd.s32 $0xFFFFE000  }
0x70: {  	_ =	swait.ge [sflag:s24], $0x2000  }
0x71: {  	[sflag:s24] =	ssyncset.done $0x0  }
0x72: {  	[sflag:s24] =	ssyncadd.s32 $0xFFFFE000  }
0x73: {  	[tilespmem:s25], [sflag:$0x2] =	stream.indirect.gather [hbm4b:s5+s23], $0x80, s28, s23, $0xb8;
	[tilespmem:$0x1CF00] =	vst v63  }
0x74: {  	_ = 	snop  }
0x75: {  	[spmem:s3] =	stream.indirect.scatter.add.f32 [tilespmem:s20], [sflag:$0x3], $0x80, s29, s23, $0xb8;
	[tilespmem:$0x1CF00] =	vst v63  }
0x76: {  	_ =	swait.ge [sflag:s21], $0x2000  }
0x77: {  	[sflag:s21] =	ssyncset.done $0x0  }
0x78: {  	[sflag:s21] =	ssyncadd.s32 $0xFFFFE000  }
0x79: {  	_ =	swait.ge [sflag:s26], $0x2000  }
0x7a: {  	[sflag:s26] =	ssyncset.done $0x0  }
0x7b: {  	[sflag:s26] =	ssyncadd.s32 $0xFFFFE000  }
0x7c: {  	[tilespmem:s20], [sflag:$0x1] =	stream.indirect.gather [hbm4b:s5+s23], $0x80, s28, s23, $0xb8;
	[tilespmem:$0x1CF00] =	vst v63  }
0x7d: {  	_ = 	snop  }
0x7e: {  	[spmem:s3] =	stream.indirect.scatter.add.f32 [tilespmem:s25], [sflag:$0x3], $0x80, s30, s23, $0xb8;
	[tilespmem:$0x1CF00] =	vst v63  }
0x7f: {  	_ =	swait.ge [sflag:s21], $0x2000  }
0x80: {  	[sflag:s21] =	ssyncset.done $0x0  }
0x81: {  	[sflag:s21] =	ssyncadd.s32 $0xFFFFE000  }
0x82: {  	s0 =	stileid.u32;
	_ =	swait.ge [sflag:s24], $0x2000  }
0x83: {  	s1 =	sshrl.u32 s6, $0x3;
	s31 =	sadd.s32 $0x1, s31;
	[sflag:s24] =	ssyncset.done $0x0  }
0x84: {  	s0 =	sshll.u32 s0, $0x6;
	p0 =	sne.s32 s31, s19;
	[sflag:s24] =	ssyncadd.s32 $0xFFFFE000  }
.Ltmp1:
0x85: {  	s0 =	sor.u32 $0x1C03, s0;
	[bflag:$0x0] =	sbarrier.arrive $0xFFFF;
	(pc) =	sbr.rel @p0 .LBB2_1-.Ltmp1, $4  }
0x86: {  	[hbm:s18], [sflag:s0] =	dma.local [spmem:s1], $0x2800  }
0x87: {  	_ =	swait.ge [sflag:s21], $0x2800  }
0x88: {  	[sflag:s21] =	ssyncset.done $0x0  }
0x89: {  	[sflag:s21] =	ssyncadd.s32 $0xFFFFD800  }
0x8a: {  	_ =	sfence.sel $0x180000  }
0x8b: {  	[bflag:$0x0] =	sbarrier.arrive $0xFFFF  }
0x8c: {  	_ =	strace $0x9000004A  }
0x8d: {  	s0 =	stileid.u32;
	[bflag:$0x2] =	sbarrier.arrive $0xFFFF  }
0x8e: {  	p0 =	sne.s32 s0, $0x0;
	s0 =	rddreg [dreg:$0x3]  }
0x8f: {  	s0 =	sadd.s32 @!p0 $0x100000, s0  }
0x90: {  	[sflag:s0] =	ssyncadd.tile.s32 @!p0 $0x1;
	_ =	shalt  }
.Lfunc_end2:
_tile_overlayer_lowered:
.L_overlay_start_2:
0x91: {  	(tag) =	ssettag $0x2  }
0x92: {  	s0 =	rddreg [dreg:$0x0];
	s2 =	stileid.u32  }
0x93: {  	s1 =	rddreg [dreg:$0x1];
	p0 =	sne.s32 s2, $0x0  }
0x94: {  	s3 =	rddreg [dreg:$0x2];
	[bflag:$0x3] =	sbarrier.arrive $0xFFFF;
	s2 =	simm.s32 @!p0 $0x1C03  }
0x95: {  	[timem:s3], [sflag:s2] =	dma.local @!p0 [hbm:s0], s1  }
0x96: {  	s0 =	simm.s32 @!p0 $0x3  }
0x97: {  	_ =	swait.ge @!p0 [sflag:s0], s1  }
0x98: {  	s1 =	ssub.s32 @!p0 $0x0, s1;
	[sflag:s0] =	ssyncset.done @!p0 $0x0  }
0x99: {  	[sflag:s0] =	ssyncadd.s32 @!p0 s1  }
0x9a: {  	[bflag:$0x3] =	sbarrier.arrive $0xFFFF  }
0x9b: {  	_ =	shalt  }

</sc_bundles>
